<compile_context>
chip_gen: v7x
topology: tpu7x:2x2x1
jax: 0.10.2.dev20260603
libtpu: 0.0.44.dev20260713+nightly
codegen_flags: <defaults>
</compile_context>

<pallas_src>
import functools

import jax
import jax.numpy as jnp
from jax import lax
from jax.experimental import pallas as pl
from jax.experimental.pallas import tpu as pltpu
from jax.experimental.pallas import tpu_sc as plsc

N = 10000
E = 320000
D_IN = 128
D = 4
DP = 8

NC, NS = 2, 16
NW = NC * NS
CHUNK = 80
NBUF = 5
CPW = 125
EPW = CPW * CHUNK
N_PAD = 10112
ROWS_PER_TILE = N_PAD // NS

_mesh = plsc.VectorSubcoreMesh(core_axis_name="c", subcore_axis_name="s")
_sc_params = pltpu.CompilerParams(use_tc_tiling_on_sc=False)


@functools.partial(
    pl.kernel,
    out_type=jax.ShapeDtypeStruct((NC, N_PAD, DP), jnp.float32),
    mesh=_mesh,
    scratch_types=[
        pltpu.VMEM((EPW,), jnp.int32),
        pltpu.VMEM((CHUNK, DP), jnp.float32),
        pltpu.VMEM_SHARED((N_PAD, DP), jnp.float32),
    ],
    compiler_params=_sc_params,
)
def _deg_sc(dst_flat, ones_hbm, zer_hbm, deg_out, didx, ones_v, acc_sh):
    c = lax.axis_index("c")
    s = lax.axis_index("s")
    wid = c * NS + s
    pltpu.sync_copy(dst_flat.at[pl.ds(wid * EPW, EPW)], didx)
    pltpu.sync_copy(ones_hbm, ones_v)

    @pl.when(s == 0)
    def _():
        pltpu.sync_copy(zer_hbm, acc_sh)

    plsc.subcore_barrier()

    def body(j, carry):
        pltpu.sync_copy(ones_v, acc_sh.at[didx.at[pl.ds(j * CHUNK, CHUNK)]],
                        add=True)
        return carry

    lax.fori_loop(0, CPW, body, 0)
    plsc.subcore_barrier()
    pltpu.sync_copy(
        acc_sh.at[pl.ds(s * ROWS_PER_TILE, ROWS_PER_TILE)],
        deg_out.at[c, pl.ds(s * ROWS_PER_TILE, ROWS_PER_TILE)],
    )


@functools.partial(
    pl.kernel,
    out_type=jax.ShapeDtypeStruct((NC, N_PAD, DP), jnp.float32),
    mesh=_mesh,
    scratch_types=[
        pltpu.VMEM((EPW,), jnp.int32),
        pltpu.VMEM((EPW,), jnp.int32),
        pltpu.VMEM((NBUF, CHUNK, DP), jnp.float32),
        pltpu.VMEM_SHARED((N_PAD, DP), jnp.float32),
        pltpu.VMEM_SHARED((N_PAD, DP), jnp.float32),
        pltpu.SemaphoreType.DMA((NBUF,)),
    ],
    compiler_params=_sc_params,
)
def _msg_sc(src_flat, dst_flat, y_hbm, zer_hbm, z_out, sidx, didx, msgs,
            acc_sh, y_sh, sems):
    c = lax.axis_index("c")
    s = lax.axis_index("s")
    wid = c * NS + s
    pltpu.sync_copy(src_flat.at[pl.ds(wid * EPW, EPW)], sidx)
    pltpu.sync_copy(dst_flat.at[pl.ds(wid * EPW, EPW)], didx)

    pltpu.sync_copy(
        y_hbm.at[pl.ds(s * ROWS_PER_TILE, ROWS_PER_TILE)],
        y_sh.at[pl.ds(s * ROWS_PER_TILE, ROWS_PER_TILE)],
    )

    @pl.when(s == 0)
    def _():
        pltpu.sync_copy(zer_hbm, acc_sh)

    plsc.subcore_barrier()

    def sl(idx_ref, j):
        return idx_ref.at[pl.ds(j * CHUNK, CHUNK)]

    for b in range(NBUF):
        pltpu.async_copy(y_sh.at[sl(sidx, b)], msgs.at[b], sems.at[b])

    def body(jo, carry):
        for b in range(NBUF):
            j = jo * NBUF + b
            pltpu.make_async_copy(y_sh.at[sl(sidx, j)], msgs.at[b],
                                  sems.at[b]).wait()
            pltpu.sync_copy(msgs.at[b], acc_sh.at[sl(didx, j)], add=True)
            jn = j + NBUF

            @pl.when(jn < CPW)
            def _():
                pltpu.async_copy(y_sh.at[sl(sidx, jn)], msgs.at[b],
                                 sems.at[b])
        return carry

    lax.fori_loop(0, CPW // NBUF, body, 0)
    plsc.subcore_barrier()
    pltpu.sync_copy(
        acc_sh.at[pl.ds(s * ROWS_PER_TILE, ROWS_PER_TILE)],
        z_out.at[c, pl.ds(s * ROWS_PER_TILE, ROWS_PER_TILE)],
    )


def _tc1_body(x_ref, w_ref, degp_ref, y_ref, dinv_ref):
    deg = degp_ref[0, :N, 0:1] + degp_ref[1, :N, 0:1] + 1.0
    dinv = lax.rsqrt(jnp.maximum(deg, 1.0))
    h = jnp.dot(x_ref[...], w_ref[...], preferred_element_type=jnp.float32)
    y = jnp.concatenate([h * dinv, jnp.zeros((N, DP - D), jnp.float32)],
                        axis=1)
    y_ref[...] = jnp.concatenate(
        [y, jnp.zeros((N_PAD - N, DP), jnp.float32)], axis=0
    )
    dinv_ref[...] = dinv


def _tc2_body(zp_ref, y1_ref, dinv_ref, w2_ref, h_ref, y2_ref):
    z8 = zp_ref[0, :N] + zp_ref[1, :N] + y1_ref[:N]
    g8 = jnp.tanh(z8 * dinv_ref[...])
    g = g8[:, :D]
    h_ref[...] = g
    y2 = (jnp.dot(g, w2_ref[...], preferred_element_type=jnp.float32)
          * dinv_ref[...])
    y2 = jnp.concatenate([y2, jnp.zeros((N, DP - D), jnp.float32)], axis=1)
    y2_ref[...] = jnp.concatenate(
        [y2, jnp.zeros((N_PAD - N, DP), jnp.float32)], axis=0
    )


def _tc3_body(zp_ref, y2_ref, dinv_ref, out_ref):
    z8 = zp_ref[0, :N] + zp_ref[1, :N] + y2_ref[:N]
    out_ref[...] = z8[:, :D] * dinv_ref[...]


def kernel(x, edge_index, W1, W2):
    ei = edge_index.astype(jnp.int32)
    src_flat = ei[0]
    dst_flat = ei[1]
    ones8 = jnp.ones((CHUNK, DP), jnp.float32)
    zer8 = jnp.zeros((N_PAD, DP), jnp.float32)

    degp = _deg_sc(dst_flat, ones8, zer8)

    y1, dinv = pl.pallas_call(
        _tc1_body,
        out_shape=[
            jax.ShapeDtypeStruct((N_PAD, DP), jnp.float32),
            jax.ShapeDtypeStruct((N, 1), jnp.float32),
        ],
    )(x, W1, degp)

    z1p = _msg_sc(src_flat, dst_flat, y1, zer8)

    h, y2 = pl.pallas_call(
        _tc2_body,
        out_shape=[
            jax.ShapeDtypeStruct((N, D), jnp.float32),
            jax.ShapeDtypeStruct((N_PAD, DP), jnp.float32),
        ],
    )(z1p, y1, dinv, W2)

    z2p = _msg_sc(src_flat, dst_flat, y2, zer8)

    out = pl.pallas_call(
        _tc3_body,
        out_shape=jax.ShapeDtypeStruct((N, D), jnp.float32),
    )(z2p, y2, dinv)

    return (out, h)

# --- scband reference (transcript-rebuilt; emitter-appended) ---
"""Pipeline reference for scband-gcn-57956288692668 (READ-ONLY COPY).

The authoritative reference and input builder live on the scoring server;
editing this copy changes nothing except your own understanding.
"""

import jax, jax.numpy as jnp
import numpy as np

N_NODES = 10000
N_EDGES = 320000
D_IN = 128
D_HID = 4
D_OUT = 4


def setup_inputs(seed: int = 0) -> dict:
    key = jax.random.key(seed)
    k1, k2, k3, k4 = jax.random.split(key, 4)
    x = jax.random.normal(k1, (N_NODES, D_IN), dtype=jnp.float32)
    edge_index = jax.random.randint(k2, (2, N_EDGES), 0, N_NODES, dtype=jnp.int64)
    # GCNConv weights (bias=False), Glorot-style init
    W1 = jax.random.normal(k3, (D_IN, D_HID), dtype=jnp.float32) * (1.0 / np.sqrt(D_IN))
    W2 = jax.random.normal(k4, (D_HID, D_OUT), dtype=jnp.float32) * (1.0 / np.sqrt(D_HID))
    return {"x": x, "edge_index": edge_index, "W1": W1, "W2": W2}


def _gcn_conv(x, edge_index, W):
    # GCNConv: out = D^{-1/2} (A + I) D^{-1/2} X W, bias=False
    N = x.shape[0]
    loop = jnp.arange(N, dtype=edge_index.dtype)
    src = jnp.concatenate([edge_index[0], loop])
    dst = jnp.concatenate([edge_index[1], loop])
    # symmetric normalization: deg computed over dst with unit edge weights
    deg = jnp.zeros((N,), dtype=x.dtype).at[dst].add(1.0)
    dinv = jax.lax.rsqrt(jnp.maximum(deg, 1.0))
    norm = dinv[src] * dinv[dst]
    h = x @ W
    msg = h[src] * norm[:, None]
    out = jnp.zeros((N, W.shape[1]), dtype=x.dtype).at[dst].add(msg)
    return out


def reference(x, edge_index, W1, W2):
    h = _gcn_conv(x, edge_index, W1)
    h = jnp.tanh(h)
    out = _gcn_conv(h, edge_index, W2)
    return (out, h)

if __name__ == "__main__":
    import jax
    _d = setup_inputs()
    print(jax.jit(kernel)(*tuple(_d.values())))

</pallas_src>

<mosaic_0001>
#map = affine_map<(d0, d1) -> (0)>
#map1 = affine_map<(d0, d1) -> (0, 0)>
#map2 = affine_map<(d0, d1) -> (0, 0, 0)>
module attributes {stable_mosaic.version = 14 : i64} {
  func.func @_deg_sc(%arg0: i32, %arg1: i32, %arg2: memref<320000xi32, #tpu.memory_space<hbm>>, %arg3: memref<80x8xf32, #tpu.memory_space<hbm>>, %arg4: memref<10112x8xf32, #tpu.memory_space<hbm>>, %arg5: memref<2x10112x8xf32, #tpu.memory_space<hbm>>, %arg6: memref<10000xi32, #tpu.memory_space<vmem>>, %arg7: memref<80x8xf32, #tpu.memory_space<vmem>>, %arg8: memref<10112x8xf32, #tpu.memory_space<vmem_shared>>) attributes {dimension_semantics = [#tpu.dimension_semantics<core_parallel>, #tpu.dimension_semantics<subcore_parallel>], iteration_bounds = array<i64: 2, 16>, scalar_prefetch = 0 : i64, scratch_operands = 3 : i64, tpu.core_type = #tpu.core_type<sc_vector_subcore>, window_params = [{transform_indices = #map}, {transform_indices = #map1}, {transform_indices = #map1}, {transform_indices = #map2}]} {
    %mul3A = arith.constant 16 : i32
    %mul3A_0 = arith.muli %arg0, %mul3A : i32
    %add3A = arith.addi %mul3A_0, %arg1 : i32
    %mul3A_1 = arith.constant 10000 : i32
    %mul3A_2 = arith.muli %add3A, %mul3A_1 : i32
    "tpu.region"() ({
      %run_scoped3A = tpu.sem_alloc : memref<!tpu.dma_semaphore, #tpu.memory_space<semaphore_mem>>
      %dma_start3A = tpu.memref_slice %arg2[%mul3A_2] : memref<320000xi32, #tpu.memory_space<hbm>> -> memref<10000xi32, #tpu.memory_space<hbm>>
      %dma_start3A_15 = tpu.memref_slice %arg2[%mul3A_2] : memref<320000xi32, #tpu.memory_space<hbm>> -> memref<10000xi32, #tpu.memory_space<hbm>>
      tpu.enqueue_dma source(%dma_start3A_15 : memref<10000xi32, #tpu.memory_space<hbm>>) target(%arg6 : memref<10000xi32, #tpu.memory_space<vmem>>) target_semaphore(%run_scoped3A : memref<!tpu.dma_semaphore, #tpu.memory_space<semaphore_mem>>)
      %dma_wait3A = tpu.memref_slice %arg2[%mul3A_2] : memref<320000xi32, #tpu.memory_space<hbm>> -> memref<10000xi32, #tpu.memory_space<hbm>>
      %dma_wait3A_16 = tpu.memref_slice %arg2[%mul3A_2] : memref<320000xi32, #tpu.memory_space<hbm>> -> memref<10000xi32, #tpu.memory_space<hbm>>
      tpu.wait_dma2 semaphore(%run_scoped3A : memref<!tpu.dma_semaphore, #tpu.memory_space<semaphore_mem>>) src(%dma_wait3A_16 : memref<10000xi32, #tpu.memory_space<hbm>>) dst(%arg6 : memref<10000xi32, #tpu.memory_space<vmem>>)
      tpu.yield
    }) : () -> ()
    "tpu.region"() ({
      %run_scoped3A = tpu.sem_alloc : memref<!tpu.dma_semaphore, #tpu.memory_space<semaphore_mem>>
      tpu.enqueue_dma source(%arg3 : memref<80x8xf32, #tpu.memory_space<hbm>>) target(%arg7 : memref<80x8xf32, #tpu.memory_space<vmem>>) target_semaphore(%run_scoped3A : memref<!tpu.dma_semaphore, #tpu.memory_space<semaphore_mem>>)
      tpu.wait_dma2 semaphore(%run_scoped3A : memref<!tpu.dma_semaphore, #tpu.memory_space<semaphore_mem>>) src(%arg3 : memref<80x8xf32, #tpu.memory_space<hbm>>) dst(%arg7 : memref<80x8xf32, #tpu.memory_space<vmem>>)
      tpu.yield
    }) : () -> ()
    %eq3A = arith.constant 0 : i32
    %eq3A_3 = arith.cmpi eq, %arg1, %eq3A : i32
    %convert_element_type3A = arith.extui %eq3A_3 : i1 to i32
    %cond3A = arith.constant 0 : i32
    %cond3A_4 = arith.cmpi ne, %convert_element_type3A, %cond3A : i32
    scf.if %cond3A_4 {
      "tpu.region"() ({
        %run_scoped3A = tpu.sem_alloc : memref<!tpu.dma_semaphore, #tpu.memory_space<semaphore_mem>>
        tpu.enqueue_dma source(%arg4 : memref<10112x8xf32, #tpu.memory_space<hbm>>) target(%arg8 : memref<10112x8xf32, #tpu.memory_space<vmem_shared>>) target_semaphore(%run_scoped3A : memref<!tpu.dma_semaphore, #tpu.memory_space<semaphore_mem>>)
        tpu.wait_dma2 semaphore(%run_scoped3A : memref<!tpu.dma_semaphore, #tpu.memory_space<semaphore_mem>>) src(%arg4 : memref<10112x8xf32, #tpu.memory_space<hbm>>) dst(%arg8 : memref<10112x8xf32, #tpu.memory_space<vmem_shared>>)
        tpu.yield
      }) : () -> ()
    } else {
    }
    %barrier3A = arith.constant 0 : index
    tpu.barrier barrier_id(%barrier3A)
    %scan3A = arith.constant 0 : i32
    %scan3A_5 = arith.constant 0 : i32
    %scan3A_6 = arith.constant 125 : i32
    %scan3A_7 = arith.addi %scan3A_5, %scan3A_6 : i32
    %scan3A_8 = arith.constant 1 : i32
    scf.for %scan3A_15 = %scan3A_5 to %scan3A_7 step %scan3A_8  : i32 {
      %mul3A_16 = arith.constant 80 : i32
      %mul3A_17 = arith.muli %scan3A_15, %mul3A_16 : i32
      "tpu.region"() ({
        %run_scoped3A = tpu.sem_alloc : memref<!tpu.dma_semaphore, #tpu.memory_space<semaphore_mem>>
        %dma_start3A = tpu.memref_slice %arg6[%mul3A_17] : memref<10000xi32, #tpu.memory_space<vmem>> -> memref<80xi32, #tpu.memory_space<vmem>>
        %dma_start3A_18 = arith.constant 0 : i32
        %dma_start3A_19 = arith.constant 0 : i32
        %dma_start3A_20 = tpu.memref_slice %arg8[%dma_start3A_18, %dma_start3A_19] : memref<10112x8xf32, #tpu.memory_space<vmem_shared>> -> memref<10112x8xf32, #tpu.memory_space<vmem_shared>>
        tpu.enqueue_indirect_dma source(%arg7 : memref<80x8xf32, #tpu.memory_space<vmem>>) target(%dma_start3A_20 : memref<10112x8xf32, #tpu.memory_space<vmem_shared>>) offsets(%dma_start3A : memref<80xi32, #tpu.memory_space<vmem>>) semaphore(%run_scoped3A : memref<!tpu.dma_semaphore, #tpu.memory_space<semaphore_mem>>) {add = true}
        %dma_wait3A = tpu.memref_slice %arg6[%mul3A_17] : memref<10000xi32, #tpu.memory_space<vmem>> -> memref<80xi32, #tpu.memory_space<vmem>>
        %dma_wait3A_21 = arith.constant 0 : i32
        %dma_wait3A_22 = arith.constant 0 : i32
        %dma_wait3A_23 = tpu.memref_slice %arg8[%dma_wait3A_21, %dma_wait3A_22] : memref<10112x8xf32, #tpu.memory_space<vmem_shared>> -> memref<10112x8xf32, #tpu.memory_space<vmem_shared>>
        tpu.wait_indirect_dma semaphore(%run_scoped3A : memref<!tpu.dma_semaphore, #tpu.memory_space<semaphore_mem>>) src(%arg7 : memref<80x8xf32, #tpu.memory_space<vmem>>) dst(%dma_wait3A_23 : memref<10112x8xf32, #tpu.memory_space<vmem_shared>>)
        tpu.yield
      }) : () -> ()
    }
    %scan3A_9 = arith.constant 125 : i32
    %barrier3A_10 = arith.constant 0 : index
    tpu.barrier barrier_id(%barrier3A_10)
    %mul3A_11 = arith.constant 632 : i32
    %mul3A_12 = arith.muli %arg1, %mul3A_11 : i32
    %mul3A_13 = arith.constant 632 : i32
    %mul3A_14 = arith.muli %arg1, %mul3A_13 : i32
    "tpu.region"() ({
      %run_scoped3A = tpu.sem_alloc : memref<!tpu.dma_semaphore, #tpu.memory_space<semaphore_mem>>
      %dma_start3A = arith.constant 0 : i32
      %dma_start3A_15 = tpu.memref_slice %arg5[%arg0, %mul3A_14, %dma_start3A] : memref<2x10112x8xf32, #tpu.memory_space<hbm>> -> memref<1x632x8xf32, #tpu.memory_space<hbm>>
      %dma_start3A_16 = tpu.memref_squeeze %dma_start3A_15 : memref<1x632x8xf32, #tpu.memory_space<hbm>> -> memref<632x8xf32, #tpu.memory_space<hbm>>
      %dma_start3A_17 = arith.constant 0 : i32
      %dma_start3A_18 = tpu.memref_slice %arg8[%mul3A_12, %dma_start3A_17] : memref<10112x8xf32, #tpu.memory_space<vmem_shared>> -> memref<632x8xf32, #tpu.memory_space<vmem_shared>>
      tpu.enqueue_dma source(%dma_start3A_18 : memref<632x8xf32, #tpu.memory_space<vmem_shared>>) target(%dma_start3A_16 : memref<632x8xf32, #tpu.memory_space<hbm>>) target_semaphore(%run_scoped3A : memref<!tpu.dma_semaphore, #tpu.memory_space<semaphore_mem>>)
      %dma_wait3A = arith.constant 0 : i32
      %dma_wait3A_19 = tpu.memref_slice %arg5[%arg0, %mul3A_14, %dma_wait3A] : memref<2x10112x8xf32, #tpu.memory_space<hbm>> -> memref<1x632x8xf32, #tpu.memory_space<hbm>>
      %dma_wait3A_20 = tpu.memref_squeeze %dma_wait3A_19 : memref<1x632x8xf32, #tpu.memory_space<hbm>> -> memref<632x8xf32, #tpu.memory_space<hbm>>
      %dma_wait3A_21 = arith.constant 0 : i32
      %dma_wait3A_22 = tpu.memref_slice %arg8[%mul3A_12, %dma_wait3A_21] : memref<10112x8xf32, #tpu.memory_space<vmem_shared>> -> memref<632x8xf32, #tpu.memory_space<vmem_shared>>
      tpu.wait_dma2 semaphore(%run_scoped3A : memref<!tpu.dma_semaphore, #tpu.memory_space<semaphore_mem>>) src(%dma_wait3A_22 : memref<632x8xf32, #tpu.memory_space<vmem_shared>>) dst(%dma_wait3A_20 : memref<632x8xf32, #tpu.memory_space<hbm>>)
      tpu.yield
    }) : () -> ()
    return
  }
}

#map = affine_map<(d0, d1) -> (0)>
#map1 = affine_map<(d0, d1) -> (0, 0)>
#map2 = affine_map<(d0, d1) -> (0, 0, 0)>
module attributes {stable_mosaic.version = 14 : i64} {
  func.func @_msg_sc(%arg0: i32, %arg1: i32, %arg2: memref<320000xi32, #tpu.memory_space<hbm>>, %arg3: memref<320000xi32, #tpu.memory_space<hbm>>, %arg4: memref<10112x8xf32, #tpu.memory_space<hbm>>, %arg5: memref<10112x8xf32, #tpu.memory_space<hbm>>, %arg6: memref<2x10112x8xf32, #tpu.memory_space<hbm>>, %arg7: memref<10000xi32, #tpu.memory_space<vmem>>, %arg8: memref<10000xi32, #tpu.memory_space<vmem>>, %arg9: memref<5x80x8xf32, #tpu.memory_space<vmem>>, %arg10: memref<10112x8xf32, #tpu.memory_space<vmem_shared>>, %arg11: memref<10112x8xf32, #tpu.memory_space<vmem_shared>>, %arg12: memref<5x!tpu.dma_semaphore, #tpu.memory_space<semaphore_mem>>) attributes {dimension_semantics = [#tpu.dimension_semantics<core_parallel>, #tpu.dimension_semantics<subcore_parallel>], iteration_bounds = array<i64: 2, 16>, scalar_prefetch = 0 : i64, scratch_operands = 6 : i64, tpu.core_type = #tpu.core_type<sc_vector_subcore>, window_params = [{transform_indices = #map}, {transform_indices = #map}, {transform_indices = #map1}, {transform_indices = #map1}, {transform_indices = #map2}]} {
    %mul3A = arith.constant 16 : i32
    %mul3A_0 = arith.muli %arg0, %mul3A : i32
    %add3A = arith.addi %mul3A_0, %arg1 : i32
    %mul3A_1 = arith.constant 10000 : i32
    %mul3A_2 = arith.muli %add3A, %mul3A_1 : i32
    "tpu.region"() ({
      %run_scoped3A = tpu.sem_alloc : memref<!tpu.dma_semaphore, #tpu.memory_space<semaphore_mem>>
      %dma_start3A_85 = tpu.memref_slice %arg2[%mul3A_2] : memref<320000xi32, #tpu.memory_space<hbm>> -> memref<10000xi32, #tpu.memory_space<hbm>>
      %dma_start3A_86 = tpu.memref_slice %arg2[%mul3A_2] : memref<320000xi32, #tpu.memory_space<hbm>> -> memref<10000xi32, #tpu.memory_space<hbm>>
      tpu.enqueue_dma source(%dma_start3A_86 : memref<10000xi32, #tpu.memory_space<hbm>>) target(%arg7 : memref<10000xi32, #tpu.memory_space<vmem>>) target_semaphore(%run_scoped3A : memref<!tpu.dma_semaphore, #tpu.memory_space<semaphore_mem>>)
      %dma_wait3A = tpu.memref_slice %arg2[%mul3A_2] : memref<320000xi32, #tpu.memory_space<hbm>> -> memref<10000xi32, #tpu.memory_space<hbm>>
      %dma_wait3A_87 = tpu.memref_slice %arg2[%mul3A_2] : memref<320000xi32, #tpu.memory_space<hbm>> -> memref<10000xi32, #tpu.memory_space<hbm>>
      tpu.wait_dma2 semaphore(%run_scoped3A : memref<!tpu.dma_semaphore, #tpu.memory_space<semaphore_mem>>) src(%dma_wait3A_87 : memref<10000xi32, #tpu.memory_space<hbm>>) dst(%arg7 : memref<10000xi32, #tpu.memory_space<vmem>>)
      tpu.yield
    }) : () -> ()
    %mul3A_3 = arith.constant 10000 : i32
    %mul3A_4 = arith.muli %add3A, %mul3A_3 : i32
    "tpu.region"() ({
      %run_scoped3A = tpu.sem_alloc : memref<!tpu.dma_semaphore, #tpu.memory_space<semaphore_mem>>
      %dma_start3A_85 = tpu.memref_slice %arg3[%mul3A_4] : memref<320000xi32, #tpu.memory_space<hbm>> -> memref<10000xi32, #tpu.memory_space<hbm>>
      %dma_start3A_86 = tpu.memref_slice %arg3[%mul3A_4] : memref<320000xi32, #tpu.memory_space<hbm>> -> memref<10000xi32, #tpu.memory_space<hbm>>
      tpu.enqueue_dma source(%dma_start3A_86 : memref<10000xi32, #tpu.memory_space<hbm>>) target(%arg8 : memref<10000xi32, #tpu.memory_space<vmem>>) target_semaphore(%run_scoped3A : memref<!tpu.dma_semaphore, #tpu.memory_space<semaphore_mem>>)
      %dma_wait3A = tpu.memref_slice %arg3[%mul3A_4] : memref<320000xi32, #tpu.memory_space<hbm>> -> memref<10000xi32, #tpu.memory_space<hbm>>
      %dma_wait3A_87 = tpu.memref_slice %arg3[%mul3A_4] : memref<320000xi32, #tpu.memory_space<hbm>> -> memref<10000xi32, #tpu.memory_space<hbm>>
      tpu.wait_dma2 semaphore(%run_scoped3A : memref<!tpu.dma_semaphore, #tpu.memory_space<semaphore_mem>>) src(%dma_wait3A_87 : memref<10000xi32, #tpu.memory_space<hbm>>) dst(%arg8 : memref<10000xi32, #tpu.memory_space<vmem>>)
      tpu.yield
    }) : () -> ()
    %mul3A_5 = arith.constant 632 : i32
    %mul3A_6 = arith.muli %arg1, %mul3A_5 : i32
    %mul3A_7 = arith.constant 632 : i32
    %mul3A_8 = arith.muli %arg1, %mul3A_7 : i32
    "tpu.region"() ({
      %run_scoped3A = tpu.sem_alloc : memref<!tpu.dma_semaphore, #tpu.memory_space<semaphore_mem>>
      %dma_start3A_85 = arith.constant 0 : i32
      %dma_start3A_86 = tpu.memref_slice %arg11[%mul3A_8, %dma_start3A_85] : memref<10112x8xf32, #tpu.memory_space<vmem_shared>> -> memref<632x8xf32, #tpu.memory_space<vmem_shared>>
      %dma_start3A_87 = arith.constant 0 : i32
      %dma_start3A_88 = tpu.memref_slice %arg4[%mul3A_6, %dma_start3A_87] : memref<10112x8xf32, #tpu.memory_space<hbm>> -> memref<632x8xf32, #tpu.memory_space<hbm>>
      tpu.enqueue_dma source(%dma_start3A_88 : memref<632x8xf32, #tpu.memory_space<hbm>>) target(%dma_start3A_86 : memref<632x8xf32, #tpu.memory_space<vmem_shared>>) target_semaphore(%run_scoped3A : memref<!tpu.dma_semaphore, #tpu.memory_space<semaphore_mem>>)
      %dma_wait3A = arith.constant 0 : i32
      %dma_wait3A_89 = tpu.memref_slice %arg11[%mul3A_8, %dma_wait3A] : memref<10112x8xf32, #tpu.memory_space<vmem_shared>> -> memref<632x8xf32, #tpu.memory_space<vmem_shared>>
      %dma_wait3A_90 = arith.constant 0 : i32
      %dma_wait3A_91 = tpu.memref_slice %arg4[%mul3A_6, %dma_wait3A_90] : memref<10112x8xf32, #tpu.memory_space<hbm>> -> memref<632x8xf32, #tpu.memory_space<hbm>>
      tpu.wait_dma2 semaphore(%run_scoped3A : memref<!tpu.dma_semaphore, #tpu.memory_space<semaphore_mem>>) src(%dma_wait3A_91 : memref<632x8xf32, #tpu.memory_space<hbm>>) dst(%dma_wait3A_89 : memref<632x8xf32, #tpu.memory_space<vmem_shared>>)
      tpu.yield
    }) : () -> ()
    %eq3A = arith.constant 0 : i32
    %eq3A_9 = arith.cmpi eq, %arg1, %eq3A : i32
    %convert_element_type3A = arith.extui %eq3A_9 : i1 to i32
    %cond3A = arith.constant 0 : i32
    %cond3A_10 = arith.cmpi ne, %convert_element_type3A, %cond3A : i32
    scf.if %cond3A_10 {
      "tpu.region"() ({
        %run_scoped3A = tpu.sem_alloc : memref<!tpu.dma_semaphore, #tpu.memory_space<semaphore_mem>>
        tpu.enqueue_dma source(%arg5 : memref<10112x8xf32, #tpu.memory_space<hbm>>) target(%arg10 : memref<10112x8xf32, #tpu.memory_space<vmem_shared>>) target_semaphore(%run_scoped3A : memref<!tpu.dma_semaphore, #tpu.memory_space<semaphore_mem>>)
        tpu.wait_dma2 semaphore(%run_scoped3A : memref<!tpu.dma_semaphore, #tpu.memory_space<semaphore_mem>>) src(%arg5 : memref<10112x8xf32, #tpu.memory_space<hbm>>) dst(%arg10 : memref<10112x8xf32, #tpu.memory_space<vmem_shared>>)
        tpu.yield
      }) : () -> ()
    } else {
    }
    %barrier3A = arith.constant 0 : index
    tpu.barrier barrier_id(%barrier3A)
    %dma_start3A = arith.constant 0 : i32
    %dma_start3A_11 = arith.constant 0 : i32
    %dma_start3A_12 = arith.constant 0 : i32
    %dma_start3A_13 = arith.constant 0 : i32
    %dma_start3A_14 = tpu.memref_slice %arg9[%dma_start3A, %dma_start3A_12, %dma_start3A_13] : memref<5x80x8xf32, #tpu.memory_space<vmem>> -> memref<1x80x8xf32, #tpu.memory_space<vmem>>
    %dma_start3A_15 = tpu.memref_squeeze %dma_start3A_14 : memref<1x80x8xf32, #tpu.memory_space<vmem>> -> memref<80x8xf32, #tpu.memory_space<vmem>>
    %dma_start3A_16 = arith.constant 0 : i32
    %dma_start3A_17 = tpu.memref_slice %arg7[%dma_start3A_16] : memref<10000xi32, #tpu.memory_space<vmem>> -> memref<80xi32, #tpu.memory_space<vmem>>
    %dma_start3A_18 = arith.constant 0 : i32
    %dma_start3A_19 = arith.constant 0 : i32
    %dma_start3A_20 = tpu.memref_slice %arg11[%dma_start3A_18, %dma_start3A_19] : memref<10112x8xf32, #tpu.memory_space<vmem_shared>> -> memref<10112x8xf32, #tpu.memory_space<vmem_shared>>
    %dma_start3A_21 = tpu.memref_slice %arg12[%dma_start3A_11] : memref<5x!tpu.dma_semaphore, #tpu.memory_space<semaphore_mem>> -> memref<1x!tpu.dma_semaphore, #tpu.memory_space<semaphore_mem>>
    %dma_start3A_22 = tpu.memref_squeeze %dma_start3A_21 : memref<1x!tpu.dma_semaphore, #tpu.memory_space<semaphore_mem>> -> memref<!tpu.dma_semaphore, #tpu.memory_space<semaphore_mem>>
    tpu.enqueue_indirect_dma source(%dma_start3A_20 : memref<10112x8xf32, #tpu.memory_space<vmem_shared>>) target(%dma_start3A_15 : memref<80x8xf32, #tpu.memory_space<vmem>>) offsets(%dma_start3A_17 : memref<80xi32, #tpu.memory_space<vmem>>) semaphore(%dma_start3A_22 : memref<!tpu.dma_semaphore, #tpu.memory_space<semaphore_mem>>)
    %dma_start3A_23 = arith.constant 1 : i32
    %dma_start3A_24 = arith.constant 1 : i32
    %dma_start3A_25 = arith.constant 0 : i32
    %dma_start3A_26 = arith.constant 0 : i32
    %dma_start3A_27 = tpu.memref_slice %arg9[%dma_start3A_23, %dma_start3A_25, %dma_start3A_26] : memref<5x80x8xf32, #tpu.memory_space<vmem>> -> memref<1x80x8xf32, #tpu.memory_space<vmem>>
    %dma_start3A_28 = tpu.memref_squeeze %dma_start3A_27 : memref<1x80x8xf32, #tpu.memory_space<vmem>> -> memref<80x8xf32, #tpu.memory_space<vmem>>
    %dma_start3A_29 = arith.constant 80 : i32
    %dma_start3A_30 = tpu.memref_slice %arg7[%dma_start3A_29] : memref<10000xi32, #tpu.memory_space<vmem>> -> memref<80xi32, #tpu.memory_space<vmem>>
    %dma_start3A_31 = arith.constant 0 : i32
    %dma_start3A_32 = arith.constant 0 : i32
    %dma_start3A_33 = tpu.memref_slice %arg11[%dma_start3A_31, %dma_start3A_32] : memref<10112x8xf32, #tpu.memory_space<vmem_shared>> -> memref<10112x8xf32, #tpu.memory_space<vmem_shared>>
    %dma_start3A_34 = tpu.memref_slice %arg12[%dma_start3A_24] : memref<5x!tpu.dma_semaphore, #tpu.memory_space<semaphore_mem>> -> memref<1x!tpu.dma_semaphore, #tpu.memory_space<semaphore_mem>>
    %dma_start3A_35 = tpu.memref_squeeze %dma_start3A_34 : memref<1x!tpu.dma_semaphore, #tpu.memory_space<semaphore_mem>> -> memref<!tpu.dma_semaphore, #tpu.memory_space<semaphore_mem>>
    tpu.enqueue_indirect_dma source(%dma_start3A_33 : memref<10112x8xf32, #tpu.memory_space<vmem_shared>>) target(%dma_start3A_28 : memref<80x8xf32, #tpu.memory_space<vmem>>) offsets(%dma_start3A_30 : memref<80xi32, #tpu.memory_space<vmem>>) semaphore(%dma_start3A_35 : memref<!tpu.dma_semaphore, #tpu.memory_space<semaphore_mem>>)
    %dma_start3A_36 = arith.constant 2 : i32
    %dma_start3A_37 = arith.constant 2 : i32
    %dma_start3A_38 = arith.constant 0 : i32
    %dma_start3A_39 = arith.constant 0 : i32
    %dma_start3A_40 = tpu.memref_slice %arg9[%dma_start3A_36, %dma_start3A_38, %dma_start3A_39] : memref<5x80x8xf32, #tpu.memory_space<vmem>> -> memref<1x80x8xf32, #tpu.memory_space<vmem>>
    %dma_start3A_41 = tpu.memref_squeeze %dma_start3A_40 : memref<1x80x8xf32, #tpu.memory_space<vmem>> -> memref<80x8xf32, #tpu.memory_space<vmem>>
    %dma_start3A_42 = arith.constant 160 : i32
    %dma_start3A_43 = tpu.memref_slice %arg7[%dma_start3A_42] : memref<10000xi32, #tpu.memory_space<vmem>> -> memref<80xi32, #tpu.memory_space<vmem>>
    %dma_start3A_44 = arith.constant 0 : i32
    %dma_start3A_45 = arith.constant 0 : i32
    %dma_start3A_46 = tpu.memref_slice %arg11[%dma_start3A_44, %dma_start3A_45] : memref<10112x8xf32, #tpu.memory_space<vmem_shared>> -> memref<10112x8xf32, #tpu.memory_space<vmem_shared>>
    %dma_start3A_47 = tpu.memref_slice %arg12[%dma_start3A_37] : memref<5x!tpu.dma_semaphore, #tpu.memory_space<semaphore_mem>> -> memref<1x!tpu.dma_semaphore, #tpu.memory_space<semaphore_mem>>
    %dma_start3A_48 = tpu.memref_squeeze %dma_start3A_47 : memref<1x!tpu.dma_semaphore, #tpu.memory_space<semaphore_mem>> -> memref<!tpu.dma_semaphore, #tpu.memory_space<semaphore_mem>>
    tpu.enqueue_indirect_dma source(%dma_start3A_46 : memref<10112x8xf32, #tpu.memory_space<vmem_shared>>) target(%dma_start3A_41 : memref<80x8xf32, #tpu.memory_space<vmem>>) offsets(%dma_start3A_43 : memref<80xi32, #tpu.memory_space<vmem>>) semaphore(%dma_start3A_48 : memref<!tpu.dma_semaphore, #tpu.memory_space<semaphore_mem>>)
    %dma_start3A_49 = arith.constant 3 : i32
    %dma_start3A_50 = arith.constant 3 : i32
    %dma_start3A_51 = arith.constant 0 : i32
    %dma_start3A_52 = arith.constant 0 : i32
    %dma_start3A_53 = tpu.memref_slice %arg9[%dma_start3A_49, %dma_start3A_51, %dma_start3A_52] : memref<5x80x8xf32, #tpu.memory_space<vmem>> -> memref<1x80x8xf32, #tpu.memory_space<vmem>>
    %dma_start3A_54 = tpu.memref_squeeze %dma_start3A_53 : memref<1x80x8xf32, #tpu.memory_space<vmem>> -> memref<80x8xf32, #tpu.memory_space<vmem>>
    %dma_start3A_55 = arith.constant 240 : i32
    %dma_start3A_56 = tpu.memref_slice %arg7[%dma_start3A_55] : memref<10000xi32, #tpu.memory_space<vmem>> -> memref<80xi32, #tpu.memory_space<vmem>>
    %dma_start3A_57 = arith.constant 0 : i32
    %dma_start3A_58 = arith.constant 0 : i32
    %dma_start3A_59 = tpu.memref_slice %arg11[%dma_start3A_57, %dma_start3A_58] : memref<10112x8xf32, #tpu.memory_space<vmem_shared>> -> memref<10112x8xf32, #tpu.memory_space<vmem_shared>>
    %dma_start3A_60 = tpu.memref_slice %arg12[%dma_start3A_50] : memref<5x!tpu.dma_semaphore, #tpu.memory_space<semaphore_mem>> -> memref<1x!tpu.dma_semaphore, #tpu.memory_space<semaphore_mem>>
    %dma_start3A_61 = tpu.memref_squeeze %dma_start3A_60 : memref<1x!tpu.dma_semaphore, #tpu.memory_space<semaphore_mem>> -> memref<!tpu.dma_semaphore, #tpu.memory_space<semaphore_mem>>
    tpu.enqueue_indirect_dma source(%dma_start3A_59 : memref<10112x8xf32, #tpu.memory_space<vmem_shared>>) target(%dma_start3A_54 : memref<80x8xf32, #tpu.memory_space<vmem>>) offsets(%dma_start3A_56 : memref<80xi32, #tpu.memory_space<vmem>>) semaphore(%dma_start3A_61 : memref<!tpu.dma_semaphore, #tpu.memory_space<semaphore_mem>>)
    %dma_start3A_62 = arith.constant 4 : i32
    %dma_start3A_63 = arith.constant 4 : i32
    %dma_start3A_64 = arith.constant 0 : i32
    %dma_start3A_65 = arith.constant 0 : i32
    %dma_start3A_66 = tpu.memref_slice %arg9[%dma_start3A_62, %dma_start3A_64, %dma_start3A_65] : memref<5x80x8xf32, #tpu.memory_space<vmem>> -> memref<1x80x8xf32, #tpu.memory_space<vmem>>
    %dma_start3A_67 = tpu.memref_squeeze %dma_start3A_66 : memref<1x80x8xf32, #tpu.memory_space<vmem>> -> memref<80x8xf32, #tpu.memory_space<vmem>>
    %dma_start3A_68 = arith.constant 320 : i32
    %dma_start3A_69 = tpu.memref_slice %arg7[%dma_start3A_68] : memref<10000xi32, #tpu.memory_space<vmem>> -> memref<80xi32, #tpu.memory_space<vmem>>
    %dma_start3A_70 = arith.constant 0 : i32
    %dma_start3A_71 = arith.constant 0 : i32
    %dma_start3A_72 = tpu.memref_slice %arg11[%dma_start3A_70, %dma_start3A_71] : memref<10112x8xf32, #tpu.memory_space<vmem_shared>> -> memref<10112x8xf32, #tpu.memory_space<vmem_shared>>
    %dma_start3A_73 = tpu.memref_slice %arg12[%dma_start3A_63] : memref<5x!tpu.dma_semaphore, #tpu.memory_space<semaphore_mem>> -> memref<1x!tpu.dma_semaphore, #tpu.memory_space<semaphore_mem>>
    %dma_start3A_74 = tpu.memref_squeeze %dma_start3A_73 : memref<1x!tpu.dma_semaphore, #tpu.memory_space<semaphore_mem>> -> memref<!tpu.dma_semaphore, #tpu.memory_space<semaphore_mem>>
    tpu.enqueue_indirect_dma source(%dma_start3A_72 : memref<10112x8xf32, #tpu.memory_space<vmem_shared>>) target(%dma_start3A_67 : memref<80x8xf32, #tpu.memory_space<vmem>>) offsets(%dma_start3A_69 : memref<80xi32, #tpu.memory_space<vmem>>) semaphore(%dma_start3A_74 : memref<!tpu.dma_semaphore, #tpu.memory_space<semaphore_mem>>)
    %scan3A = arith.constant 0 : i32
    %scan3A_75 = arith.constant 0 : i32
    %scan3A_76 = arith.constant 25 : i32
    %scan3A_77 = arith.addi %scan3A_75, %scan3A_76 : i32
    %scan3A_78 = arith.constant 1 : i32
    scf.for %scan3A_85 = %scan3A_75 to %scan3A_77 step %scan3A_78  : i32 {
      %mul3A_86 = arith.constant 5 : i32
      %mul3A_87 = arith.muli %scan3A_85, %mul3A_86 : i32
      %add3A_88 = arith.constant 0 : i32
      %add3A_89 = arith.addi %mul3A_87, %add3A_88 : i32
      %mul3A_90 = arith.constant 80 : i32
      %mul3A_91 = arith.muli %add3A_89, %mul3A_90 : i32
      %dma_wait3A = arith.constant 0 : i32
      %dma_wait3A_92 = arith.constant 0 : i32
      %dma_wait3A_93 = arith.constant 0 : i32
      %dma_wait3A_94 = arith.constant 0 : i32
      %dma_wait3A_95 = tpu.memref_slice %arg9[%dma_wait3A, %dma_wait3A_93, %dma_wait3A_94] : memref<5x80x8xf32, #tpu.memory_space<vmem>> -> memref<1x80x8xf32, #tpu.memory_space<vmem>>
      %dma_wait3A_96 = tpu.memref_squeeze %dma_wait3A_95 : memref<1x80x8xf32, #tpu.memory_space<vmem>> -> memref<80x8xf32, #tpu.memory_space<vmem>>
      %dma_wait3A_97 = tpu.memref_slice %arg7[%mul3A_91] : memref<10000xi32, #tpu.memory_space<vmem>> -> memref<80xi32, #tpu.memory_space<vmem>>
      %dma_wait3A_98 = arith.constant 0 : i32
      %dma_wait3A_99 = arith.constant 0 : i32
      %dma_wait3A_100 = tpu.memref_slice %arg11[%dma_wait3A_98, %dma_wait3A_99] : memref<10112x8xf32, #tpu.memory_space<vmem_shared>> -> memref<10112x8xf32, #tpu.memory_space<vmem_shared>>
      %dma_wait3A_101 = tpu.memref_slice %arg12[%dma_wait3A_92] : memref<5x!tpu.dma_semaphore, #tpu.memory_space<semaphore_mem>> -> memref<1x!tpu.dma_semaphore, #tpu.memory_space<semaphore_mem>>
      %dma_wait3A_102 = tpu.memref_squeeze %dma_wait3A_101 : memref<1x!tpu.dma_semaphore, #tpu.memory_space<semaphore_mem>> -> memref<!tpu.dma_semaphore, #tpu.memory_space<semaphore_mem>>
      tpu.wait_indirect_dma semaphore(%dma_wait3A_102 : memref<!tpu.dma_semaphore, #tpu.memory_space<semaphore_mem>>) src(%dma_wait3A_100 : memref<10112x8xf32, #tpu.memory_space<vmem_shared>>) dst(%dma_wait3A_96 : memref<80x8xf32, #tpu.memory_space<vmem>>)
      %mul3A_103 = arith.constant 80 : i32
      %mul3A_104 = arith.muli %add3A_89, %mul3A_103 : i32
      %run_scoped3A = arith.constant 0 : i32
      "tpu.region"() ({
        %run_scoped3A_223 = tpu.sem_alloc : memref<!tpu.dma_semaphore, #tpu.memory_space<semaphore_mem>>
        %dma_start3A_224 = arith.constant 0 : i32
        %dma_start3A_225 = arith.constant 0 : i32
        %dma_start3A_226 = tpu.memref_slice %arg9[%run_scoped3A, %dma_start3A_224, %dma_start3A_225] : memref<5x80x8xf32, #tpu.memory_space<vmem>> -> memref<1x80x8xf32, #tpu.memory_space<vmem>>
        %dma_start3A_227 = tpu.memref_squeeze %dma_start3A_226 : memref<1x80x8xf32, #tpu.memory_space<vmem>> -> memref<80x8xf32, #tpu.memory_space<vmem>>
        %dma_start3A_228 = tpu.memref_slice %arg8[%mul3A_104] : memref<10000xi32, #tpu.memory_space<vmem>> -> memref<80xi32, #tpu.memory_space<vmem>>
        %dma_start3A_229 = arith.constant 0 : i32
        %dma_start3A_230 = arith.constant 0 : i32
        %dma_start3A_231 = tpu.memref_slice %arg10[%dma_start3A_229, %dma_start3A_230] : memref<10112x8xf32, #tpu.memory_space<vmem_shared>> -> memref<10112x8xf32, #tpu.memory_space<vmem_shared>>
        tpu.enqueue_indirect_dma source(%dma_start3A_227 : memref<80x8xf32, #tpu.memory_space<vmem>>) target(%dma_start3A_231 : memref<10112x8xf32, #tpu.memory_space<vmem_shared>>) offsets(%dma_start3A_228 : memref<80xi32, #tpu.memory_space<vmem>>) semaphore(%run_scoped3A_223 : memref<!tpu.dma_semaphore, #tpu.memory_space<semaphore_mem>>) {add = true}
        %dma_wait3A_232 = arith.constant 0 : i32
        %dma_wait3A_233 = arith.constant 0 : i32
        %dma_wait3A_234 = tpu.memref_slice %arg9[%run_scoped3A, %dma_wait3A_232, %dma_wait3A_233] : memref<5x80x8xf32, #tpu.memory_space<vmem>> -> memref<1x80x8xf32, #tpu.memory_space<vmem>>
        %dma_wait3A_235 = tpu.memref_squeeze %dma_wait3A_234 : memref<1x80x8xf32, #tpu.memory_space<vmem>> -> memref<80x8xf32, #tpu.memory_space<vmem>>
        %dma_wait3A_236 = tpu.memref_slice %arg8[%mul3A_104] : memref<10000xi32, #tpu.memory_space<vmem>> -> memref<80xi32, #tpu.memory_space<vmem>>
        %dma_wait3A_237 = arith.constant 0 : i32
        %dma_wait3A_238 = arith.constant 0 : i32
        %dma_wait3A_239 = tpu.memref_slice %arg10[%dma_wait3A_237, %dma_wait3A_238] : memref<10112x8xf32, #tpu.memory_space<vmem_shared>> -> memref<10112x8xf32, #tpu.memory_space<vmem_shared>>
        tpu.wait_indirect_dma semaphore(%run_scoped3A_223 : memref<!tpu.dma_semaphore, #tpu.memory_space<semaphore_mem>>) src(%dma_wait3A_235 : memref<80x8xf32, #tpu.memory_space<vmem>>) dst(%dma_wait3A_239 : memref<10112x8xf32, #tpu.memory_space<vmem_shared>>)
        tpu.yield
      }) : () -> ()
      %add3A_105 = arith.constant 5 : i32
      %add3A_106 = arith.addi %add3A_89, %add3A_105 : i32
      %lt3A = arith.constant 125 : i32
      %lt3A_107 = arith.cmpi slt, %add3A_106, %lt3A : i32
      %convert_element_type3A_108 = arith.extui %lt3A_107 : i1 to i32
      %cond3A_109 = arith.constant 0 : i32
      %cond3A_110 = arith.cmpi ne, %convert_element_type3A_108, %cond3A_109 : i32
      scf.if %cond3A_110 {
        %mul3A_223 = arith.constant 80 : i32
        %mul3A_224 = arith.muli %add3A_106, %mul3A_223 : i32
        %dma_start3A_225 = arith.constant 0 : i32
        %dma_start3A_226 = arith.constant 0 : i32
        %dma_start3A_227 = arith.constant 0 : i32
        %dma_start3A_228 = arith.constant 0 : i32
        %dma_start3A_229 = tpu.memref_slice %arg9[%dma_start3A_225, %dma_start3A_227, %dma_start3A_228] : memref<5x80x8xf32, #tpu.memory_space<vmem>> -> memref<1x80x8xf32, #tpu.memory_space<vmem>>
        %dma_start3A_230 = tpu.memref_squeeze %dma_start3A_229 : memref<1x80x8xf32, #tpu.memory_space<vmem>> -> memref<80x8xf32, #tpu.memory_space<vmem>>
        %dma_start3A_231 = tpu.memref_slice %arg7[%mul3A_224] : memref<10000xi32, #tpu.memory_space<vmem>> -> memref<80xi32, #tpu.memory_space<vmem>>
        %dma_start3A_232 = arith.constant 0 : i32
        %dma_start3A_233 = arith.constant 0 : i32
        %dma_start3A_234 = tpu.memref_slice %arg11[%dma_start3A_232, %dma_start3A_233] : memref<10112x8xf32, #tpu.memory_space<vmem_shared>> -> memref<10112x8xf32, #tpu.memory_space<vmem_shared>>
        %dma_start3A_235 = tpu.memref_slice %arg12[%dma_start3A_226] : memref<5x!tpu.dma_semaphore, #tpu.memory_space<semaphore_mem>> -> memref<1x!tpu.dma_semaphore, #tpu.memory_space<semaphore_mem>>
        %dma_start3A_236 = tpu.memref_squeeze %dma_start3A_235 : memref<1x!tpu.dma_semaphore, #tpu.memory_space<semaphore_mem>> -> memref<!tpu.dma_semaphore, #tpu.memory_space<semaphore_mem>>
        tpu.enqueue_indirect_dma source(%dma_start3A_234 : memref<10112x8xf32, #tpu.memory_space<vmem_shared>>) target(%dma_start3A_230 : memref<80x8xf32, #tpu.memory_space<vmem>>) offsets(%dma_start3A_231 : memref<80xi32, #tpu.memory_space<vmem>>) semaphore(%dma_start3A_236 : memref<!tpu.dma_semaphore, #tpu.memory_space<semaphore_mem>>)
      } else {
      }
      %mul3A_111 = arith.constant 5 : i32
      %mul3A_112 = arith.muli %scan3A_85, %mul3A_111 : i32
      %add3A_113 = arith.constant 1 : i32
      %add3A_114 = arith.addi %mul3A_112, %add3A_113 : i32
      %mul3A_115 = arith.constant 80 : i32
      %mul3A_116 = arith.muli %add3A_114, %mul3A_115 : i32
      %dma_wait3A_117 = arith.constant 1 : i32
      %dma_wait3A_118 = arith.constant 1 : i32
      %dma_wait3A_119 = arith.constant 0 : i32
      %dma_wait3A_120 = arith.constant 0 : i32
      %dma_wait3A_121 = tpu.memref_slice %arg9[%dma_wait3A_117, %dma_wait3A_119, %dma_wait3A_120] : memref<5x80x8xf32, #tpu.memory_space<vmem>> -> memref<1x80x8xf32, #tpu.memory_space<vmem>>
      %dma_wait3A_122 = tpu.memref_squeeze %dma_wait3A_121 : memref<1x80x8xf32, #tpu.memory_space<vmem>> -> memref<80x8xf32, #tpu.memory_space<vmem>>
      %dma_wait3A_123 = tpu.memref_slice %arg7[%mul3A_116] : memref<10000xi32, #tpu.memory_space<vmem>> -> memref<80xi32, #tpu.memory_space<vmem>>
      %dma_wait3A_124 = arith.constant 0 : i32
      %dma_wait3A_125 = arith.constant 0 : i32
      %dma_wait3A_126 = tpu.memref_slice %arg11[%dma_wait3A_124, %dma_wait3A_125] : memref<10112x8xf32, #tpu.memory_space<vmem_shared>> -> memref<10112x8xf32, #tpu.memory_space<vmem_shared>>
      %dma_wait3A_127 = tpu.memref_slice %arg12[%dma_wait3A_118] : memref<5x!tpu.dma_semaphore, #tpu.memory_space<semaphore_mem>> -> memref<1x!tpu.dma_semaphore, #tpu.memory_space<semaphore_mem>>
      %dma_wait3A_128 = tpu.memref_squeeze %dma_wait3A_127 : memref<1x!tpu.dma_semaphore, #tpu.memory_space<semaphore_mem>> -> memref<!tpu.dma_semaphore, #tpu.memory_space<semaphore_mem>>
      tpu.wait_indirect_dma semaphore(%dma_wait3A_128 : memref<!tpu.dma_semaphore, #tpu.memory_space<semaphore_mem>>) src(%dma_wait3A_126 : memref<10112x8xf32, #tpu.memory_space<vmem_shared>>) dst(%dma_wait3A_122 : memref<80x8xf32, #tpu.memory_space<vmem>>)
      %mul3A_129 = arith.constant 80 : i32
      %mul3A_130 = arith.muli %add3A_114, %mul3A_129 : i32
      %run_scoped3A_131 = arith.constant 1 : i32
      "tpu.region"() ({
        %run_scoped3A_223 = tpu.sem_alloc : memref<!tpu.dma_semaphore, #tpu.memory_space<semaphore_mem>>
        %dma_start3A_224 = arith.constant 0 : i32
        %dma_start3A_225 = arith.constant 0 : i32
        %dma_start3A_226 = tpu.memref_slice %arg9[%run_scoped3A_131, %dma_start3A_224, %dma_start3A_225] : memref<5x80x8xf32, #tpu.memory_space<vmem>> -> memref<1x80x8xf32, #tpu.memory_space<vmem>>
        %dma_start3A_227 = tpu.memref_squeeze %dma_start3A_226 : memref<1x80x8xf32, #tpu.memory_space<vmem>> -> memref<80x8xf32, #tpu.memory_space<vmem>>
        %dma_start3A_228 = tpu.memref_slice %arg8[%mul3A_130] : memref<10000xi32, #tpu.memory_space<vmem>> -> memref<80xi32, #tpu.memory_space<vmem>>
        %dma_start3A_229 = arith.constant 0 : i32
        %dma_start3A_230 = arith.constant 0 : i32
        %dma_start3A_231 = tpu.memref_slice %arg10[%dma_start3A_229, %dma_start3A_230] : memref<10112x8xf32, #tpu.memory_space<vmem_shared>> -> memref<10112x8xf32, #tpu.memory_space<vmem_shared>>
        tpu.enqueue_indirect_dma source(%dma_start3A_227 : memref<80x8xf32, #tpu.memory_space<vmem>>) target(%dma_start3A_231 : memref<10112x8xf32, #tpu.memory_space<vmem_shared>>) offsets(%dma_start3A_228 : memref<80xi32, #tpu.memory_space<vmem>>) semaphore(%run_scoped3A_223 : memref<!tpu.dma_semaphore, #tpu.memory_space<semaphore_mem>>) {add = true}
        %dma_wait3A_232 = arith.constant 0 : i32
        %dma_wait3A_233 = arith.constant 0 : i32
        %dma_wait3A_234 = tpu.memref_slice %arg9[%run_scoped3A_131, %dma_wait3A_232, %dma_wait3A_233] : memref<5x80x8xf32, #tpu.memory_space<vmem>> -> memref<1x80x8xf32, #tpu.memory_space<vmem>>
        %dma_wait3A_235 = tpu.memref_squeeze %dma_wait3A_234 : memref<1x80x8xf32, #tpu.memory_space<vmem>> -> memref<80x8xf32, #tpu.memory_space<vmem>>
        %dma_wait3A_236 = tpu.memref_slice %arg8[%mul3A_130] : memref<10000xi32, #tpu.memory_space<vmem>> -> memref<80xi32, #tpu.memory_space<vmem>>
        %dma_wait3A_237 = arith.constant 0 : i32
        %dma_wait3A_238 = arith.constant 0 : i32
        %dma_wait3A_239 = tpu.memref_slice %arg10[%dma_wait3A_237, %dma_wait3A_238] : memref<10112x8xf32, #tpu.memory_space<vmem_shared>> -> memref<10112x8xf32, #tpu.memory_space<vmem_shared>>
        tpu.wait_indirect_dma semaphore(%run_scoped3A_223 : memref<!tpu.dma_semaphore, #tpu.memory_space<semaphore_mem>>) src(%dma_wait3A_235 : memref<80x8xf32, #tpu.memory_space<vmem>>) dst(%dma_wait3A_239 : memref<10112x8xf32, #tpu.memory_space<vmem_shared>>)
        tpu.yield
      }) : () -> ()
      %add3A_132 = arith.constant 5 : i32
      %add3A_133 = arith.addi %add3A_114, %add3A_132 : i32
      %lt3A_134 = arith.constant 125 : i32
      %lt3A_135 = arith.cmpi slt, %add3A_133, %lt3A_134 : i32
      %convert_element_type3A_136 = arith.extui %lt3A_135 : i1 to i32
      %cond3A_137 = arith.constant 0 : i32
      %cond3A_138 = arith.cmpi ne, %convert_element_type3A_136, %cond3A_137 : i32
      scf.if %cond3A_138 {
        %mul3A_223 = arith.constant 80 : i32
        %mul3A_224 = arith.muli %add3A_133, %mul3A_223 : i32
        %dma_start3A_225 = arith.constant 1 : i32
        %dma_start3A_226 = arith.constant 1 : i32
        %dma_start3A_227 = arith.constant 0 : i32
        %dma_start3A_228 = arith.constant 0 : i32
        %dma_start3A_229 = tpu.memref_slice %arg9[%dma_start3A_225, %dma_start3A_227, %dma_start3A_228] : memref<5x80x8xf32, #tpu.memory_space<vmem>> -> memref<1x80x8xf32, #tpu.memory_space<vmem>>
        %dma_start3A_230 = tpu.memref_squeeze %dma_start3A_229 : memref<1x80x8xf32, #tpu.memory_space<vmem>> -> memref<80x8xf32, #tpu.memory_space<vmem>>
        %dma_start3A_231 = tpu.memref_slice %arg7[%mul3A_224] : memref<10000xi32, #tpu.memory_space<vmem>> -> memref<80xi32, #tpu.memory_space<vmem>>
        %dma_start3A_232 = arith.constant 0 : i32
        %dma_start3A_233 = arith.constant 0 : i32
        %dma_start3A_234 = tpu.memref_slice %arg11[%dma_start3A_232, %dma_start3A_233] : memref<10112x8xf32, #tpu.memory_space<vmem_shared>> -> memref<10112x8xf32, #tpu.memory_space<vmem_shared>>
        %dma_start3A_235 = tpu.memref_slice %arg12[%dma_start3A_226] : memref<5x!tpu.dma_semaphore, #tpu.memory_space<semaphore_mem>> -> memref<1x!tpu.dma_semaphore, #tpu.memory_space<semaphore_mem>>
        %dma_start3A_236 = tpu.memref_squeeze %dma_start3A_235 : memref<1x!tpu.dma_semaphore, #tpu.memory_space<semaphore_mem>> -> memref<!tpu.dma_semaphore, #tpu.memory_space<semaphore_mem>>
        tpu.enqueue_indirect_dma source(%dma_start3A_234 : memref<10112x8xf32, #tpu.memory_space<vmem_shared>>) target(%dma_start3A_230 : memref<80x8xf32, #tpu.memory_space<vmem>>) offsets(%dma_start3A_231 : memref<80xi32, #tpu.memory_space<vmem>>) semaphore(%dma_start3A_236 : memref<!tpu.dma_semaphore, #tpu.memory_space<semaphore_mem>>)
      } else {
      }
      %mul3A_139 = arith.constant 5 : i32
      %mul3A_140 = arith.muli %scan3A_85, %mul3A_139 : i32
      %add3A_141 = arith.constant 2 : i32
      %add3A_142 = arith.addi %mul3A_140, %add3A_141 : i32
      %mul3A_143 = arith.constant 80 : i32
      %mul3A_144 = arith.muli %add3A_142, %mul3A_143 : i32
      %dma_wait3A_145 = arith.constant 2 : i32
      %dma_wait3A_146 = arith.constant 2 : i32
      %dma_wait3A_147 = arith.constant 0 : i32
      %dma_wait3A_148 = arith.constant 0 : i32
      %dma_wait3A_149 = tpu.memref_slice %arg9[%dma_wait3A_145, %dma_wait3A_147, %dma_wait3A_148] : memref<5x80x8xf32, #tpu.memory_space<vmem>> -> memref<1x80x8xf32, #tpu.memory_space<vmem>>
      %dma_wait3A_150 = tpu.memref_squeeze %dma_wait3A_149 : memref<1x80x8xf32, #tpu.memory_space<vmem>> -> memref<80x8xf32, #tpu.memory_space<vmem>>
      %dma_wait3A_151 = tpu.memref_slice %arg7[%mul3A_144] : memref<10000xi32, #tpu.memory_space<vmem>> -> memref<80xi32, #tpu.memory_space<vmem>>
      %dma_wait3A_152 = arith.constant 0 : i32
      %dma_wait3A_153 = arith.constant 0 : i32
      %dma_wait3A_154 = tpu.memref_slice %arg11[%dma_wait3A_152, %dma_wait3A_153] : memref<10112x8xf32, #tpu.memory_space<vmem_shared>> -> memref<10112x8xf32, #tpu.memory_space<vmem_shared>>
      %dma_wait3A_155 = tpu.memref_slice %arg12[%dma_wait3A_146] : memref<5x!tpu.dma_semaphore, #tpu.memory_space<semaphore_mem>> -> memref<1x!tpu.dma_semaphore, #tpu.memory_space<semaphore_mem>>
      %dma_wait3A_156 = tpu.memref_squeeze %dma_wait3A_155 : memref<1x!tpu.dma_semaphore, #tpu.memory_space<semaphore_mem>> -> memref<!tpu.dma_semaphore, #tpu.memory_space<semaphore_mem>>
      tpu.wait_indirect_dma semaphore(%dma_wait3A_156 : memref<!tpu.dma_semaphore, #tpu.memory_space<semaphore_mem>>) src(%dma_wait3A_154 : memref<10112x8xf32, #tpu.memory_space<vmem_shared>>) dst(%dma_wait3A_150 : memref<80x8xf32, #tpu.memory_space<vmem>>)
      %mul3A_157 = arith.constant 80 : i32
      %mul3A_158 = arith.muli %add3A_142, %mul3A_157 : i32
      %run_scoped3A_159 = arith.constant 2 : i32
      "tpu.region"() ({
        %run_scoped3A_223 = tpu.sem_alloc : memref<!tpu.dma_semaphore, #tpu.memory_space<semaphore_mem>>
        %dma_start3A_224 = arith.constant 0 : i32
        %dma_start3A_225 = arith.constant 0 : i32
        %dma_start3A_226 = tpu.memref_slice %arg9[%run_scoped3A_159, %dma_start3A_224, %dma_start3A_225] : memref<5x80x8xf32, #tpu.memory_space<vmem>> -> memref<1x80x8xf32, #tpu.memory_space<vmem>>
        %dma_start3A_227 = tpu.memref_squeeze %dma_start3A_226 : memref<1x80x8xf32, #tpu.memory_space<vmem>> -> memref<80x8xf32, #tpu.memory_space<vmem>>
        %dma_start3A_228 = tpu.memref_slice %arg8[%mul3A_158] : memref<10000xi32, #tpu.memory_space<vmem>> -> memref<80xi32, #tpu.memory_space<vmem>>
        %dma_start3A_229 = arith.constant 0 : i32
        %dma_start3A_230 = arith.constant 0 : i32
        %dma_start3A_231 = tpu.memref_slice %arg10[%dma_start3A_229, %dma_start3A_230] : memref<10112x8xf32, #tpu.memory_space<vmem_shared>> -> memref<10112x8xf32, #tpu.memory_space<vmem_shared>>
        tpu.enqueue_indirect_dma source(%dma_start3A_227 : memref<80x8xf32, #tpu.memory_space<vmem>>) target(%dma_start3A_231 : memref<10112x8xf32, #tpu.memory_space<vmem_shared>>) offsets(%dma_start3A_228 : memref<80xi32, #tpu.memory_space<vmem>>) semaphore(%run_scoped3A_223 : memref<!tpu.dma_semaphore, #tpu.memory_space<semaphore_mem>>) {add = true}
        %dma_wait3A_232 = arith.constant 0 : i32
        %dma_wait3A_233 = arith.constant 0 : i32
        %dma_wait3A_234 = tpu.memref_slice %arg9[%run_scoped3A_159, %dma_wait3A_232, %dma_wait3A_233] : memref<5x80x8xf32, #tpu.memory_space<vmem>> -> memref<1x80x8xf32, #tpu.memory_space<vmem>>
        %dma_wait3A_235 = tpu.memref_squeeze %dma_wait3A_234 : memref<1x80x8xf32, #tpu.memory_space<vmem>> -> memref<80x8xf32, #tpu.memory_space<vmem>>
        %dma_wait3A_236 = tpu.memref_slice %arg8[%mul3A_158] : memref<10000xi32, #tpu.memory_space<vmem>> -> memref<80xi32, #tpu.memory_space<vmem>>
        %dma_wait3A_237 = arith.constant 0 : i32
        %dma_wait3A_238 = arith.constant 0 : i32
        %dma_wait3A_239 = tpu.memref_slice %arg10[%dma_wait3A_237, %dma_wait3A_238] : memref<10112x8xf32, #tpu.memory_space<vmem_shared>> -> memref<10112x8xf32, #tpu.memory_space<vmem_shared>>
        tpu.wait_indirect_dma semaphore(%run_scoped3A_223 : memref<!tpu.dma_semaphore, #tpu.memory_space<semaphore_mem>>) src(%dma_wait3A_235 : memref<80x8xf32, #tpu.memory_space<vmem>>) dst(%dma_wait3A_239 : memref<10112x8xf32, #tpu.memory_space<vmem_shared>>)
        tpu.yield
      }) : () -> ()
      %add3A_160 = arith.constant 5 : i32
      %add3A_161 = arith.addi %add3A_142, %add3A_160 : i32
      %lt3A_162 = arith.constant 125 : i32
      %lt3A_163 = arith.cmpi slt, %add3A_161, %lt3A_162 : i32
      %convert_element_type3A_164 = arith.extui %lt3A_163 : i1 to i32
      %cond3A_165 = arith.constant 0 : i32
      %cond3A_166 = arith.cmpi ne, %convert_element_type3A_164, %cond3A_165 : i32
      scf.if %cond3A_166 {
        %mul3A_223 = arith.constant 80 : i32
        %mul3A_224 = arith.muli %add3A_161, %mul3A_223 : i32
        %dma_start3A_225 = arith.constant 2 : i32
        %dma_start3A_226 = arith.constant 2 : i32
        %dma_start3A_227 = arith.constant 0 : i32
        %dma_start3A_228 = arith.constant 0 : i32
        %dma_start3A_229 = tpu.memref_slice %arg9[%dma_start3A_225, %dma_start3A_227, %dma_start3A_228] : memref<5x80x8xf32, #tpu.memory_space<vmem>> -> memref<1x80x8xf32, #tpu.memory_space<vmem>>
        %dma_start3A_230 = tpu.memref_squeeze %dma_start3A_229 : memref<1x80x8xf32, #tpu.memory_space<vmem>> -> memref<80x8xf32, #tpu.memory_space<vmem>>
        %dma_start3A_231 = tpu.memref_slice %arg7[%mul3A_224] : memref<10000xi32, #tpu.memory_space<vmem>> -> memref<80xi32, #tpu.memory_space<vmem>>
        %dma_start3A_232 = arith.constant 0 : i32
        %dma_start3A_233 = arith.constant 0 : i32
        %dma_start3A_234 = tpu.memref_slice %arg11[%dma_start3A_232, %dma_start3A_233] : memref<10112x8xf32, #tpu.memory_space<vmem_shared>> -> memref<10112x8xf32, #tpu.memory_space<vmem_shared>>
        %dma_start3A_235 = tpu.memref_slice %arg12[%dma_start3A_226] : memref<5x!tpu.dma_semaphore, #tpu.memory_space<semaphore_mem>> -> memref<1x!tpu.dma_semaphore, #tpu.memory_space<semaphore_mem>>
        %dma_start3A_236 = tpu.memref_squeeze %dma_start3A_235 : memref<1x!tpu.dma_semaphore, #tpu.memory_space<semaphore_mem>> -> memref<!tpu.dma_semaphore, #tpu.memory_space<semaphore_mem>>
        tpu.enqueue_indirect_dma source(%dma_start3A_234 : memref<10112x8xf32, #tpu.memory_space<vmem_shared>>) target(%dma_start3A_230 : memref<80x8xf32, #tpu.memory_space<vmem>>) offsets(%dma_start3A_231 : memref<80xi32, #tpu.memory_space<vmem>>) semaphore(%dma_start3A_236 : memref<!tpu.dma_semaphore, #tpu.memory_space<semaphore_mem>>)
      } else {
      }
      %mul3A_167 = arith.constant 5 : i32
      %mul3A_168 = arith.muli %scan3A_85, %mul3A_167 : i32
      %add3A_169 = arith.constant 3 : i32
      %add3A_170 = arith.addi %mul3A_168, %add3A_169 : i32
      %mul3A_171 = arith.constant 80 : i32
      %mul3A_172 = arith.muli %add3A_170, %mul3A_171 : i32
      %dma_wait3A_173 = arith.constant 3 : i32
      %dma_wait3A_174 = arith.constant 3 : i32
      %dma_wait3A_175 = arith.constant 0 : i32
      %dma_wait3A_176 = arith.constant 0 : i32
      %dma_wait3A_177 = tpu.memref_slice %arg9[%dma_wait3A_173, %dma_wait3A_175, %dma_wait3A_176] : memref<5x80x8xf32, #tpu.memory_space<vmem>> -> memref<1x80x8xf32, #tpu.memory_space<vmem>>
      %dma_wait3A_178 = tpu.memref_squeeze %dma_wait3A_177 : memref<1x80x8xf32, #tpu.memory_space<vmem>> -> memref<80x8xf32, #tpu.memory_space<vmem>>
      %dma_wait3A_179 = tpu.memref_slice %arg7[%mul3A_172] : memref<10000xi32, #tpu.memory_space<vmem>> -> memref<80xi32, #tpu.memory_space<vmem>>
      %dma_wait3A_180 = arith.constant 0 : i32
      %dma_wait3A_181 = arith.constant 0 : i32
      %dma_wait3A_182 = tpu.memref_slice %arg11[%dma_wait3A_180, %dma_wait3A_181] : memref<10112x8xf32, #tpu.memory_space<vmem_shared>> -> memref<10112x8xf32, #tpu.memory_space<vmem_shared>>
      %dma_wait3A_183 = tpu.memref_slice %arg12[%dma_wait3A_174] : memref<5x!tpu.dma_semaphore, #tpu.memory_space<semaphore_mem>> -> memref<1x!tpu.dma_semaphore, #tpu.memory_space<semaphore_mem>>
      %dma_wait3A_184 = tpu.memref_squeeze %dma_wait3A_183 : memref<1x!tpu.dma_semaphore, #tpu.memory_space<semaphore_mem>> -> memref<!tpu.dma_semaphore, #tpu.memory_space<semaphore_mem>>
      tpu.wait_indirect_dma semaphore(%dma_wait3A_184 : memref<!tpu.dma_semaphore, #tpu.memory_space<semaphore_mem>>) src(%dma_wait3A_182 : memref<10112x8xf32, #tpu.memory_space<vmem_shared>>) dst(%dma_wait3A_178 : memref<80x8xf32, #tpu.memory_space<vmem>>)
      %mul3A_185 = arith.constant 80 : i32
      %mul3A_186 = arith.muli %add3A_170, %mul3A_185 : i32
      %run_scoped3A_187 = arith.constant 3 : i32
      "tpu.region"() ({
        %run_scoped3A_223 = tpu.sem_alloc : memref<!tpu.dma_semaphore, #tpu.memory_space<semaphore_mem>>
        %dma_start3A_224 = arith.constant 0 : i32
        %dma_start3A_225 = arith.constant 0 : i32
        %dma_start3A_226 = tpu.memref_slice %arg9[%run_scoped3A_187, %dma_start3A_224, %dma_start3A_225] : memref<5x80x8xf32, #tpu.memory_space<vmem>> -> memref<1x80x8xf32, #tpu.memory_space<vmem>>
        %dma_start3A_227 = tpu.memref_squeeze %dma_start3A_226 : memref<1x80x8xf32, #tpu.memory_space<vmem>> -> memref<80x8xf32, #tpu.memory_space<vmem>>
        %dma_start3A_228 = tpu.memref_slice %arg8[%mul3A_186] : memref<10000xi32, #tpu.memory_space<vmem>> -> memref<80xi32, #tpu.memory_space<vmem>>
        %dma_start3A_229 = arith.constant 0 : i32
        %dma_start3A_230 = arith.constant 0 : i32
        %dma_start3A_231 = tpu.memref_slice %arg10[%dma_start3A_229, %dma_start3A_230] : memref<10112x8xf32, #tpu.memory_space<vmem_shared>> -> memref<10112x8xf32, #tpu.memory_space<vmem_shared>>
        tpu.enqueue_indirect_dma source(%dma_start3A_227 : memref<80x8xf32, #tpu.memory_space<vmem>>) target(%dma_start3A_231 : memref<10112x8xf32, #tpu.memory_space<vmem_shared>>) offsets(%dma_start3A_228 : memref<80xi32, #tpu.memory_space<vmem>>) semaphore(%run_scoped3A_223 : memref<!tpu.dma_semaphore, #tpu.memory_space<semaphore_mem>>) {add = true}
        %dma_wait3A_232 = arith.constant 0 : i32
        %dma_wait3A_233 = arith.constant 0 : i32
        %dma_wait3A_234 = tpu.memref_slice %arg9[%run_scoped3A_187, %dma_wait3A_232, %dma_wait3A_233] : memref<5x80x8xf32, #tpu.memory_space<vmem>> -> memref<1x80x8xf32, #tpu.memory_space<vmem>>
        %dma_wait3A_235 = tpu.memref_squeeze %dma_wait3A_234 : memref<1x80x8xf32, #tpu.memory_space<vmem>> -> memref<80x8xf32, #tpu.memory_space<vmem>>
        %dma_wait3A_236 = tpu.memref_slice %arg8[%mul3A_186] : memref<10000xi32, #tpu.memory_space<vmem>> -> memref<80xi32, #tpu.memory_space<vmem>>
        %dma_wait3A_237 = arith.constant 0 : i32
        %dma_wait3A_238 = arith.constant 0 : i32
        %dma_wait3A_239 = tpu.memref_slice %arg10[%dma_wait3A_237, %dma_wait3A_238] : memref<10112x8xf32, #tpu.memory_space<vmem_shared>> -> memref<10112x8xf32, #tpu.memory_space<vmem_shared>>
        tpu.wait_indirect_dma semaphore(%run_scoped3A_223 : memref<!tpu.dma_semaphore, #tpu.memory_space<semaphore_mem>>) src(%dma_wait3A_235 : memref<80x8xf32, #tpu.memory_space<vmem>>) dst(%dma_wait3A_239 : memref<10112x8xf32, #tpu.memory_space<vmem_shared>>)
        tpu.yield
      }) : () -> ()
      %add3A_188 = arith.constant 5 : i32
      %add3A_189 = arith.addi %add3A_170, %add3A_188 : i32
      %lt3A_190 = arith.constant 125 : i32
      %lt3A_191 = arith.cmpi slt, %add3A_189, %lt3A_190 : i32
      %convert_element_type3A_192 = arith.extui %lt3A_191 : i1 to i32
      %cond3A_193 = arith.constant 0 : i32
      %cond3A_194 = arith.cmpi ne, %convert_element_type3A_192, %cond3A_193 : i32
      scf.if %cond3A_194 {
        %mul3A_223 = arith.constant 80 : i32
        %mul3A_224 = arith.muli %add3A_189, %mul3A_223 : i32
        %dma_start3A_225 = arith.constant 3 : i32
        %dma_start3A_226 = arith.constant 3 : i32
        %dma_start3A_227 = arith.constant 0 : i32
        %dma_start3A_228 = arith.constant 0 : i32
        %dma_start3A_229 = tpu.memref_slice %arg9[%dma_start3A_225, %dma_start3A_227, %dma_start3A_228] : memref<5x80x8xf32, #tpu.memory_space<vmem>> -> memref<1x80x8xf32, #tpu.memory_space<vmem>>
        %dma_start3A_230 = tpu.memref_squeeze %dma_start3A_229 : memref<1x80x8xf32, #tpu.memory_space<vmem>> -> memref<80x8xf32, #tpu.memory_space<vmem>>
        %dma_start3A_231 = tpu.memref_slice %arg7[%mul3A_224] : memref<10000xi32, #tpu.memory_space<vmem>> -> memref<80xi32, #tpu.memory_space<vmem>>
        %dma_start3A_232 = arith.constant 0 : i32
        %dma_start3A_233 = arith.constant 0 : i32
        %dma_start3A_234 = tpu.memref_slice %arg11[%dma_start3A_232, %dma_start3A_233] : memref<10112x8xf32, #tpu.memory_space<vmem_shared>> -> memref<10112x8xf32, #tpu.memory_space<vmem_shared>>
        %dma_start3A_235 = tpu.memref_slice %arg12[%dma_start3A_226] : memref<5x!tpu.dma_semaphore, #tpu.memory_space<semaphore_mem>> -> memref<1x!tpu.dma_semaphore, #tpu.memory_space<semaphore_mem>>
        %dma_start3A_236 = tpu.memref_squeeze %dma_start3A_235 : memref<1x!tpu.dma_semaphore, #tpu.memory_space<semaphore_mem>> -> memref<!tpu.dma_semaphore, #tpu.memory_space<semaphore_mem>>
        tpu.enqueue_indirect_dma source(%dma_start3A_234 : memref<10112x8xf32, #tpu.memory_space<vmem_shared>>) target(%dma_start3A_230 : memref<80x8xf32, #tpu.memory_space<vmem>>) offsets(%dma_start3A_231 : memref<80xi32, #tpu.memory_space<vmem>>) semaphore(%dma_start3A_236 : memref<!tpu.dma_semaphore, #tpu.memory_space<semaphore_mem>>)
      } else {
      }
      %mul3A_195 = arith.constant 5 : i32
      %mul3A_196 = arith.muli %scan3A_85, %mul3A_195 : i32
      %add3A_197 = arith.constant 4 : i32
      %add3A_198 = arith.addi %mul3A_196, %add3A_197 : i32
      %mul3A_199 = arith.constant 80 : i32
      %mul3A_200 = arith.muli %add3A_198, %mul3A_199 : i32
      %dma_wait3A_201 = arith.constant 4 : i32
      %dma_wait3A_202 = arith.constant 4 : i32
      %dma_wait3A_203 = arith.constant 0 : i32
      %dma_wait3A_204 = arith.constant 0 : i32
      %dma_wait3A_205 = tpu.memref_slice %arg9[%dma_wait3A_201, %dma_wait3A_203, %dma_wait3A_204] : memref<5x80x8xf32, #tpu.memory_space<vmem>> -> memref<1x80x8xf32, #tpu.memory_space<vmem>>
      %dma_wait3A_206 = tpu.memref_squeeze %dma_wait3A_205 : memref<1x80x8xf32, #tpu.memory_space<vmem>> -> memref<80x8xf32, #tpu.memory_space<vmem>>
      %dma_wait3A_207 = tpu.memref_slice %arg7[%mul3A_200] : memref<10000xi32, #tpu.memory_space<vmem>> -> memref<80xi32, #tpu.memory_space<vmem>>
      %dma_wait3A_208 = arith.constant 0 : i32
      %dma_wait3A_209 = arith.constant 0 : i32
      %dma_wait3A_210 = tpu.memref_slice %arg11[%dma_wait3A_208, %dma_wait3A_209] : memref<10112x8xf32, #tpu.memory_space<vmem_shared>> -> memref<10112x8xf32, #tpu.memory_space<vmem_shared>>
      %dma_wait3A_211 = tpu.memref_slice %arg12[%dma_wait3A_202] : memref<5x!tpu.dma_semaphore, #tpu.memory_space<semaphore_mem>> -> memref<1x!tpu.dma_semaphore, #tpu.memory_space<semaphore_mem>>
      %dma_wait3A_212 = tpu.memref_squeeze %dma_wait3A_211 : memref<1x!tpu.dma_semaphore, #tpu.memory_space<semaphore_mem>> -> memref<!tpu.dma_semaphore, #tpu.memory_space<semaphore_mem>>
      tpu.wait_indirect_dma semaphore(%dma_wait3A_212 : memref<!tpu.dma_semaphore, #tpu.memory_space<semaphore_mem>>) src(%dma_wait3A_210 : memref<10112x8xf32, #tpu.memory_space<vmem_shared>>) dst(%dma_wait3A_206 : memref<80x8xf32, #tpu.memory_space<vmem>>)
      %mul3A_213 = arith.constant 80 : i32
      %mul3A_214 = arith.muli %add3A_198, %mul3A_213 : i32
      %run_scoped3A_215 = arith.constant 4 : i32
      "tpu.region"() ({
        %run_scoped3A_223 = tpu.sem_alloc : memref<!tpu.dma_semaphore, #tpu.memory_space<semaphore_mem>>
        %dma_start3A_224 = arith.constant 0 : i32
        %dma_start3A_225 = arith.constant 0 : i32
        %dma_start3A_226 = tpu.memref_slice %arg9[%run_scoped3A_215, %dma_start3A_224, %dma_start3A_225] : memref<5x80x8xf32, #tpu.memory_space<vmem>> -> memref<1x80x8xf32, #tpu.memory_space<vmem>>
        %dma_start3A_227 = tpu.memref_squeeze %dma_start3A_226 : memref<1x80x8xf32, #tpu.memory_space<vmem>> -> memref<80x8xf32, #tpu.memory_space<vmem>>
        %dma_start3A_228 = tpu.memref_slice %arg8[%mul3A_214] : memref<10000xi32, #tpu.memory_space<vmem>> -> memref<80xi32, #tpu.memory_space<vmem>>
        %dma_start3A_229 = arith.constant 0 : i32
        %dma_start3A_230 = arith.constant 0 : i32
        %dma_start3A_231 = tpu.memref_slice %arg10[%dma_start3A_229, %dma_start3A_230] : memref<10112x8xf32, #tpu.memory_space<vmem_shared>> -> memref<10112x8xf32, #tpu.memory_space<vmem_shared>>
        tpu.enqueue_indirect_dma source(%dma_start3A_227 : memref<80x8xf32, #tpu.memory_space<vmem>>) target(%dma_start3A_231 : memref<10112x8xf32, #tpu.memory_space<vmem_shared>>) offsets(%dma_start3A_228 : memref<80xi32, #tpu.memory_space<vmem>>) semaphore(%run_scoped3A_223 : memref<!tpu.dma_semaphore, #tpu.memory_space<semaphore_mem>>) {add = true}
        %dma_wait3A_232 = arith.constant 0 : i32
        %dma_wait3A_233 = arith.constant 0 : i32
        %dma_wait3A_234 = tpu.memref_slice %arg9[%run_scoped3A_215, %dma_wait3A_232, %dma_wait3A_233] : memref<5x80x8xf32, #tpu.memory_space<vmem>> -> memref<1x80x8xf32, #tpu.memory_space<vmem>>
        %dma_wait3A_235 = tpu.memref_squeeze %dma_wait3A_234 : memref<1x80x8xf32, #tpu.memory_space<vmem>> -> memref<80x8xf32, #tpu.memory_space<vmem>>
        %dma_wait3A_236 = tpu.memref_slice %arg8[%mul3A_214] : memref<10000xi32, #tpu.memory_space<vmem>> -> memref<80xi32, #tpu.memory_space<vmem>>
        %dma_wait3A_237 = arith.constant 0 : i32
        %dma_wait3A_238 = arith.constant 0 : i32
        %dma_wait3A_239 = tpu.memref_slice %arg10[%dma_wait3A_237, %dma_wait3A_238] : memref<10112x8xf32, #tpu.memory_space<vmem_shared>> -> memref<10112x8xf32, #tpu.memory_space<vmem_shared>>
        tpu.wait_indirect_dma semaphore(%run_scoped3A_223 : memref<!tpu.dma_semaphore, #tpu.memory_space<semaphore_mem>>) src(%dma_wait3A_235 : memref<80x8xf32, #tpu.memory_space<vmem>>) dst(%dma_wait3A_239 : memref<10112x8xf32, #tpu.memory_space<vmem_shared>>)
        tpu.yield
      }) : () -> ()
      %add3A_216 = arith.constant 5 : i32
      %add3A_217 = arith.addi %add3A_198, %add3A_216 : i32
      %lt3A_218 = arith.constant 125 : i32
      %lt3A_219 = arith.cmpi slt, %add3A_217, %lt3A_218 : i32
      %convert_element_type3A_220 = arith.extui %lt3A_219 : i1 to i32
      %cond3A_221 = arith.constant 0 : i32
      %cond3A_222 = arith.cmpi ne, %convert_element_type3A_220, %cond3A_221 : i32
      scf.if %cond3A_222 {
        %mul3A_223 = arith.constant 80 : i32
        %mul3A_224 = arith.muli %add3A_217, %mul3A_223 : i32
        %dma_start3A_225 = arith.constant 4 : i32
        %dma_start3A_226 = arith.constant 4 : i32
        %dma_start3A_227 = arith.constant 0 : i32
        %dma_start3A_228 = arith.constant 0 : i32
        %dma_start3A_229 = tpu.memref_slice %arg9[%dma_start3A_225, %dma_start3A_227, %dma_start3A_228] : memref<5x80x8xf32, #tpu.memory_space<vmem>> -> memref<1x80x8xf32, #tpu.memory_space<vmem>>
        %dma_start3A_230 = tpu.memref_squeeze %dma_start3A_229 : memref<1x80x8xf32, #tpu.memory_space<vmem>> -> memref<80x8xf32, #tpu.memory_space<vmem>>
        %dma_start3A_231 = tpu.memref_slice %arg7[%mul3A_224] : memref<10000xi32, #tpu.memory_space<vmem>> -> memref<80xi32, #tpu.memory_space<vmem>>
        %dma_start3A_232 = arith.constant 0 : i32
        %dma_start3A_233 = arith.constant 0 : i32
        %dma_start3A_234 = tpu.memref_slice %arg11[%dma_start3A_232, %dma_start3A_233] : memref<10112x8xf32, #tpu.memory_space<vmem_shared>> -> memref<10112x8xf32, #tpu.memory_space<vmem_shared>>
        %dma_start3A_235 = tpu.memref_slice %arg12[%dma_start3A_226] : memref<5x!tpu.dma_semaphore, #tpu.memory_space<semaphore_mem>> -> memref<1x!tpu.dma_semaphore, #tpu.memory_space<semaphore_mem>>
        %dma_start3A_236 = tpu.memref_squeeze %dma_start3A_235 : memref<1x!tpu.dma_semaphore, #tpu.memory_space<semaphore_mem>> -> memref<!tpu.dma_semaphore, #tpu.memory_space<semaphore_mem>>
        tpu.enqueue_indirect_dma source(%dma_start3A_234 : memref<10112x8xf32, #tpu.memory_space<vmem_shared>>) target(%dma_start3A_230 : memref<80x8xf32, #tpu.memory_space<vmem>>) offsets(%dma_start3A_231 : memref<80xi32, #tpu.memory_space<vmem>>) semaphore(%dma_start3A_236 : memref<!tpu.dma_semaphore, #tpu.memory_space<semaphore_mem>>)
      } else {
      }
    }
    %scan3A_79 = arith.constant 25 : i32
    %barrier3A_80 = arith.constant 0 : index
    tpu.barrier barrier_id(%barrier3A_80)
    %mul3A_81 = arith.constant 632 : i32
    %mul3A_82 = arith.muli %arg1, %mul3A_81 : i32
    %mul3A_83 = arith.constant 632 : i32
    %mul3A_84 = arith.muli %arg1, %mul3A_83 : i32
    "tpu.region"() ({
      %run_scoped3A = tpu.sem_alloc : memref<!tpu.dma_semaphore, #tpu.memory_space<semaphore_mem>>
      %dma_start3A_85 = arith.constant 0 : i32
      %dma_start3A_86 = tpu.memref_slice %arg6[%arg0, %mul3A_84, %dma_start3A_85] : memref<2x10112x8xf32, #tpu.memory_space<hbm>> -> memref<1x632x8xf32, #tpu.memory_space<hbm>>
      %dma_start3A_87 = tpu.memref_squeeze %dma_start3A_86 : memref<1x632x8xf32, #tpu.memory_space<hbm>> -> memref<632x8xf32, #tpu.memory_space<hbm>>
      %dma_start3A_88 = arith.constant 0 : i32
      %dma_start3A_89 = tpu.memref_slice %arg10[%mul3A_82, %dma_start3A_88] : memref<10112x8xf32, #tpu.memory_space<vmem_shared>> -> memref<632x8xf32, #tpu.memory_space<vmem_shared>>
      tpu.enqueue_dma source(%dma_start3A_89 : memref<632x8xf32, #tpu.memory_space<vmem_shared>>) target(%dma_start3A_87 : memref<632x8xf32, #tpu.memory_space<hbm>>) target_semaphore(%run_scoped3A : memref<!tpu.dma_semaphore, #tpu.memory_space<semaphore_mem>>)
      %dma_wait3A = arith.constant 0 : i32
      %dma_wait3A_90 = tpu.memref_slice %arg6[%arg0, %mul3A_84, %dma_wait3A] : memref<2x10112x8xf32, #tpu.memory_space<hbm>> -> memref<1x632x8xf32, #tpu.memory_space<hbm>>
      %dma_wait3A_91 = tpu.memref_squeeze %dma_wait3A_90 : memref<1x632x8xf32, #tpu.memory_space<hbm>> -> memref<632x8xf32, #tpu.memory_space<hbm>>
      %dma_wait3A_92 = arith.constant 0 : i32
      %dma_wait3A_93 = tpu.memref_slice %arg10[%mul3A_82, %dma_wait3A_92] : memref<10112x8xf32, #tpu.memory_space<vmem_shared>> -> memref<632x8xf32, #tpu.memory_space<vmem_shared>>
      tpu.wait_dma2 semaphore(%run_scoped3A : memref<!tpu.dma_semaphore, #tpu.memory_space<semaphore_mem>>) src(%dma_wait3A_93 : memref<632x8xf32, #tpu.memory_space<vmem_shared>>) dst(%dma_wait3A_91 : memref<632x8xf32, #tpu.memory_space<hbm>>)
      tpu.yield
    }) : () -> ()
    return
  }
}

#map = affine_map<(d0, d1) -> (0)>
#map1 = affine_map<(d0, d1) -> (0, 0)>
#map2 = affine_map<(d0, d1) -> (0, 0, 0)>
module attributes {stable_mosaic.version = 14 : i64} {
  func.func @_msg_sc(%arg0: i32, %arg1: i32, %arg2: memref<320000xi32, #tpu.memory_space<hbm>>, %arg3: memref<320000xi32, #tpu.memory_space<hbm>>, %arg4: memref<10112x8xf32, #tpu.memory_space<hbm>>, %arg5: memref<10112x8xf32, #tpu.memory_space<hbm>>, %arg6: memref<2x10112x8xf32, #tpu.memory_space<hbm>>, %arg7: memref<10000xi32, #tpu.memory_space<vmem>>, %arg8: memref<10000xi32, #tpu.memory_space<vmem>>, %arg9: memref<5x80x8xf32, #tpu.memory_space<vmem>>, %arg10: memref<10112x8xf32, #tpu.memory_space<vmem_shared>>, %arg11: memref<10112x8xf32, #tpu.memory_space<vmem_shared>>, %arg12: memref<5x!tpu.dma_semaphore, #tpu.memory_space<semaphore_mem>>) attributes {dimension_semantics = [#tpu.dimension_semantics<core_parallel>, #tpu.dimension_semantics<subcore_parallel>], iteration_bounds = array<i64: 2, 16>, scalar_prefetch = 0 : i64, scratch_operands = 6 : i64, tpu.core_type = #tpu.core_type<sc_vector_subcore>, window_params = [{transform_indices = #map}, {transform_indices = #map}, {transform_indices = #map1}, {transform_indices = #map1}, {transform_indices = #map2}]} {
    %mul3A = arith.constant 16 : i32
    %mul3A_0 = arith.muli %arg0, %mul3A : i32
    %add3A = arith.addi %mul3A_0, %arg1 : i32
    %mul3A_1 = arith.constant 10000 : i32
    %mul3A_2 = arith.muli %add3A, %mul3A_1 : i32
    "tpu.region"() ({
      %run_scoped3A = tpu.sem_alloc : memref<!tpu.dma_semaphore, #tpu.memory_space<semaphore_mem>>
      %dma_start3A_85 = tpu.memref_slice %arg2[%mul3A_2] : memref<320000xi32, #tpu.memory_space<hbm>> -> memref<10000xi32, #tpu.memory_space<hbm>>
      %dma_start3A_86 = tpu.memref_slice %arg2[%mul3A_2] : memref<320000xi32, #tpu.memory_space<hbm>> -> memref<10000xi32, #tpu.memory_space<hbm>>
      tpu.enqueue_dma source(%dma_start3A_86 : memref<10000xi32, #tpu.memory_space<hbm>>) target(%arg7 : memref<10000xi32, #tpu.memory_space<vmem>>) target_semaphore(%run_scoped3A : memref<!tpu.dma_semaphore, #tpu.memory_space<semaphore_mem>>)
      %dma_wait3A = tpu.memref_slice %arg2[%mul3A_2] : memref<320000xi32, #tpu.memory_space<hbm>> -> memref<10000xi32, #tpu.memory_space<hbm>>
      %dma_wait3A_87 = tpu.memref_slice %arg2[%mul3A_2] : memref<320000xi32, #tpu.memory_space<hbm>> -> memref<10000xi32, #tpu.memory_space<hbm>>
      tpu.wait_dma2 semaphore(%run_scoped3A : memref<!tpu.dma_semaphore, #tpu.memory_space<semaphore_mem>>) src(%dma_wait3A_87 : memref<10000xi32, #tpu.memory_space<hbm>>) dst(%arg7 : memref<10000xi32, #tpu.memory_space<vmem>>)
      tpu.yield
    }) : () -> ()
    %mul3A_3 = arith.constant 10000 : i32
    %mul3A_4 = arith.muli %add3A, %mul3A_3 : i32
    "tpu.region"() ({
      %run_scoped3A = tpu.sem_alloc : memref<!tpu.dma_semaphore, #tpu.memory_space<semaphore_mem>>
      %dma_start3A_85 = tpu.memref_slice %arg3[%mul3A_4] : memref<320000xi32, #tpu.memory_space<hbm>> -> memref<10000xi32, #tpu.memory_space<hbm>>
      %dma_start3A_86 = tpu.memref_slice %arg3[%mul3A_4] : memref<320000xi32, #tpu.memory_space<hbm>> -> memref<10000xi32, #tpu.memory_space<hbm>>
      tpu.enqueue_dma source(%dma_start3A_86 : memref<10000xi32, #tpu.memory_space<hbm>>) target(%arg8 : memref<10000xi32, #tpu.memory_space<vmem>>) target_semaphore(%run_scoped3A : memref<!tpu.dma_semaphore, #tpu.memory_space<semaphore_mem>>)
      %dma_wait3A = tpu.memref_slice %arg3[%mul3A_4] : memref<320000xi32, #tpu.memory_space<hbm>> -> memref<10000xi32, #tpu.memory_space<hbm>>
      %dma_wait3A_87 = tpu.memref_slice %arg3[%mul3A_4] : memref<320000xi32, #tpu.memory_space<hbm>> -> memref<10000xi32, #tpu.memory_space<hbm>>
      tpu.wait_dma2 semaphore(%run_scoped3A : memref<!tpu.dma_semaphore, #tpu.memory_space<semaphore_mem>>) src(%dma_wait3A_87 : memref<10000xi32, #tpu.memory_space<hbm>>) dst(%arg8 : memref<10000xi32, #tpu.memory_space<vmem>>)
      tpu.yield
    }) : () -> ()
    %mul3A_5 = arith.constant 632 : i32
    %mul3A_6 = arith.muli %arg1, %mul3A_5 : i32
    %mul3A_7 = arith.constant 632 : i32
    %mul3A_8 = arith.muli %arg1, %mul3A_7 : i32
    "tpu.region"() ({
      %run_scoped3A = tpu.sem_alloc : memref<!tpu.dma_semaphore, #tpu.memory_space<semaphore_mem>>
      %dma_start3A_85 = arith.constant 0 : i32
      %dma_start3A_86 = tpu.memref_slice %arg11[%mul3A_8, %dma_start3A_85] : memref<10112x8xf32, #tpu.memory_space<vmem_shared>> -> memref<632x8xf32, #tpu.memory_space<vmem_shared>>
      %dma_start3A_87 = arith.constant 0 : i32
      %dma_start3A_88 = tpu.memref_slice %arg4[%mul3A_6, %dma_start3A_87] : memref<10112x8xf32, #tpu.memory_space<hbm>> -> memref<632x8xf32, #tpu.memory_space<hbm>>
      tpu.enqueue_dma source(%dma_start3A_88 : memref<632x8xf32, #tpu.memory_space<hbm>>) target(%dma_start3A_86 : memref<632x8xf32, #tpu.memory_space<vmem_shared>>) target_semaphore(%run_scoped3A : memref<!tpu.dma_semaphore, #tpu.memory_space<semaphore_mem>>)
      %dma_wait3A = arith.constant 0 : i32
      %dma_wait3A_89 = tpu.memref_slice %arg11[%mul3A_8, %dma_wait3A] : memref<10112x8xf32, #tpu.memory_space<vmem_shared>> -> memref<632x8xf32, #tpu.memory_space<vmem_shared>>
      %dma_wait3A_90 = arith.constant 0 : i32
      %dma_wait3A_91 = tpu.memref_slice %arg4[%mul3A_6, %dma_wait3A_90] : memref<10112x8xf32, #tpu.memory_space<hbm>> -> memref<632x8xf32, #tpu.memory_space<hbm>>
      tpu.wait_dma2 semaphore(%run_scoped3A : memref<!tpu.dma_semaphore, #tpu.memory_space<semaphore_mem>>) src(%dma_wait3A_91 : memref<632x8xf32, #tpu.memory_space<hbm>>) dst(%dma_wait3A_89 : memref<632x8xf32, #tpu.memory_space<vmem_shared>>)
      tpu.yield
    }) : () -> ()
    %eq3A = arith.constant 0 : i32
    %eq3A_9 = arith.cmpi eq, %arg1, %eq3A : i32
    %convert_element_type3A = arith.extui %eq3A_9 : i1 to i32
    %cond3A = arith.constant 0 : i32
    %cond3A_10 = arith.cmpi ne, %convert_element_type3A, %cond3A : i32
    scf.if %cond3A_10 {
      "tpu.region"() ({
        %run_scoped3A = tpu.sem_alloc : memref<!tpu.dma_semaphore, #tpu.memory_space<semaphore_mem>>
        tpu.enqueue_dma source(%arg5 : memref<10112x8xf32, #tpu.memory_space<hbm>>) target(%arg10 : memref<10112x8xf32, #tpu.memory_space<vmem_shared>>) target_semaphore(%run_scoped3A : memref<!tpu.dma_semaphore, #tpu.memory_space<semaphore_mem>>)
        tpu.wait_dma2 semaphore(%run_scoped3A : memref<!tpu.dma_semaphore, #tpu.memory_space<semaphore_mem>>) src(%arg5 : memref<10112x8xf32, #tpu.memory_space<hbm>>) dst(%arg10 : memref<10112x8xf32, #tpu.memory_space<vmem_shared>>)
        tpu.yield
      }) : () -> ()
    } else {
    }
    %barrier3A = arith.constant 0 : index
    tpu.barrier barrier_id(%barrier3A)
    %dma_start3A = arith.constant 0 : i32
    %dma_start3A_11 = arith.constant 0 : i32
    %dma_start3A_12 = arith.constant 0 : i32
    %dma_start3A_13 = arith.constant 0 : i32
    %dma_start3A_14 = tpu.memref_slice %arg9[%dma_start3A, %dma_start3A_12, %dma_start3A_13] : memref<5x80x8xf32, #tpu.memory_space<vmem>> -> memref<1x80x8xf32, #tpu.memory_space<vmem>>
    %dma_start3A_15 = tpu.memref_squeeze %dma_start3A_14 : memref<1x80x8xf32, #tpu.memory_space<vmem>> -> memref<80x8xf32, #tpu.memory_space<vmem>>
    %dma_start3A_16 = arith.constant 0 : i32
    %dma_start3A_17 = tpu.memref_slice %arg7[%dma_start3A_16] : memref<10000xi32, #tpu.memory_space<vmem>> -> memref<80xi32, #tpu.memory_space<vmem>>
    %dma_start3A_18 = arith.constant 0 : i32
    %dma_start3A_19 = arith.constant 0 : i32
    %dma_start3A_20 = tpu.memref_slice %arg11[%dma_start3A_18, %dma_start3A_19] : memref<10112x8xf32, #tpu.memory_space<vmem_shared>> -> memref<10112x8xf32, #tpu.memory_space<vmem_shared>>
    %dma_start3A_21 = tpu.memref_slice %arg12[%dma_start3A_11] : memref<5x!tpu.dma_semaphore, #tpu.memory_space<semaphore_mem>> -> memref<1x!tpu.dma_semaphore, #tpu.memory_space<semaphore_mem>>
    %dma_start3A_22 = tpu.memref_squeeze %dma_start3A_21 : memref<1x!tpu.dma_semaphore, #tpu.memory_space<semaphore_mem>> -> memref<!tpu.dma_semaphore, #tpu.memory_space<semaphore_mem>>
    tpu.enqueue_indirect_dma source(%dma_start3A_20 : memref<10112x8xf32, #tpu.memory_space<vmem_shared>>) target(%dma_start3A_15 : memref<80x8xf32, #tpu.memory_space<vmem>>) offsets(%dma_start3A_17 : memref<80xi32, #tpu.memory_space<vmem>>) semaphore(%dma_start3A_22 : memref<!tpu.dma_semaphore, #tpu.memory_space<semaphore_mem>>)
    %dma_start3A_23 = arith.constant 1 : i32
    %dma_start3A_24 = arith.constant 1 : i32
    %dma_start3A_25 = arith.constant 0 : i32
    %dma_start3A_26 = arith.constant 0 : i32
    %dma_start3A_27 = tpu.memref_slice %arg9[%dma_start3A_23, %dma_start3A_25, %dma_start3A_26] : memref<5x80x8xf32, #tpu.memory_space<vmem>> -> memref<1x80x8xf32, #tpu.memory_space<vmem>>
    %dma_start3A_28 = tpu.memref_squeeze %dma_start3A_27 : memref<1x80x8xf32, #tpu.memory_space<vmem>> -> memref<80x8xf32, #tpu.memory_space<vmem>>
    %dma_start3A_29 = arith.constant 80 : i32
    %dma_start3A_30 = tpu.memref_slice %arg7[%dma_start3A_29] : memref<10000xi32, #tpu.memory_space<vmem>> -> memref<80xi32, #tpu.memory_space<vmem>>
    %dma_start3A_31 = arith.constant 0 : i32
    %dma_start3A_32 = arith.constant 0 : i32
    %dma_start3A_33 = tpu.memref_slice %arg11[%dma_start3A_31, %dma_start3A_32] : memref<10112x8xf32, #tpu.memory_space<vmem_shared>> -> memref<10112x8xf32, #tpu.memory_space<vmem_shared>>
    %dma_start3A_34 = tpu.memref_slice %arg12[%dma_start3A_24] : memref<5x!tpu.dma_semaphore, #tpu.memory_space<semaphore_mem>> -> memref<1x!tpu.dma_semaphore, #tpu.memory_space<semaphore_mem>>
    %dma_start3A_35 = tpu.memref_squeeze %dma_start3A_34 : memref<1x!tpu.dma_semaphore, #tpu.memory_space<semaphore_mem>> -> memref<!tpu.dma_semaphore, #tpu.memory_space<semaphore_mem>>
    tpu.enqueue_indirect_dma source(%dma_start3A_33 : memref<10112x8xf32, #tpu.memory_space<vmem_shared>>) target(%dma_start3A_28 : memref<80x8xf32, #tpu.memory_space<vmem>>) offsets(%dma_start3A_30 : memref<80xi32, #tpu.memory_space<vmem>>) semaphore(%dma_start3A_35 : memref<!tpu.dma_semaphore, #tpu.memory_space<semaphore_mem>>)
    %dma_start3A_36 = arith.constant 2 : i32
    %dma_start3A_37 = arith.constant 2 : i32
    %dma_start3A_38 = arith.constant 0 : i32
    %dma_start3A_39 = arith.constant 0 : i32
    %dma_start3A_40 = tpu.memref_slice %arg9[%dma_start3A_36, %dma_start3A_38, %dma_start3A_39] : memref<5x80x8xf32, #tpu.memory_space<vmem>> -> memref<1x80x8xf32, #tpu.memory_space<vmem>>
    %dma_start3A_41 = tpu.memref_squeeze %dma_start3A_40 : memref<1x80x8xf32, #tpu.memory_space<vmem>> -> memref<80x8xf32, #tpu.memory_space<vmem>>
    %dma_start3A_42 = arith.constant 160 : i32
    %dma_start3A_43 = tpu.memref_slice %arg7[%dma_start3A_42] : memref<10000xi32, #tpu.memory_space<vmem>> -> memref<80xi32, #tpu.memory_space<vmem>>
    %dma_start3A_44 = arith.constant 0 : i32
    %dma_start3A_45 = arith.constant 0 : i32
    %dma_start3A_46 = tpu.memref_slice %arg11[%dma_start3A_44, %dma_start3A_45] : memref<10112x8xf32, #tpu.memory_space<vmem_shared>> -> memref<10112x8xf32, #tpu.memory_space<vmem_shared>>
    %dma_start3A_47 = tpu.memref_slice %arg12[%dma_start3A_37] : memref<5x!tpu.dma_semaphore, #tpu.memory_space<semaphore_mem>> -> memref<1x!tpu.dma_semaphore, #tpu.memory_space<semaphore_mem>>
    %dma_start3A_48 = tpu.memref_squeeze %dma_start3A_47 : memref<1x!tpu.dma_semaphore, #tpu.memory_space<semaphore_mem>> -> memref<!tpu.dma_semaphore, #tpu.memory_space<semaphore_mem>>
    tpu.enqueue_indirect_dma source(%dma_start3A_46 : memref<10112x8xf32, #tpu.memory_space<vmem_shared>>) target(%dma_start3A_41 : memref<80x8xf32, #tpu.memory_space<vmem>>) offsets(%dma_start3A_43 : memref<80xi32, #tpu.memory_space<vmem>>) semaphore(%dma_start3A_48 : memref<!tpu.dma_semaphore, #tpu.memory_space<semaphore_mem>>)
    %dma_start3A_49 = arith.constant 3 : i32
    %dma_start3A_50 = arith.constant 3 : i32
    %dma_start3A_51 = arith.constant 0 : i32
    %dma_start3A_52 = arith.constant 0 : i32
    %dma_start3A_53 = tpu.memref_slice %arg9[%dma_start3A_49, %dma_start3A_51, %dma_start3A_52] : memref<5x80x8xf32, #tpu.memory_space<vmem>> -> memref<1x80x8xf32, #tpu.memory_space<vmem>>
    %dma_start3A_54 = tpu.memref_squeeze %dma_start3A_53 : memref<1x80x8xf32, #tpu.memory_space<vmem>> -> memref<80x8xf32, #tpu.memory_space<vmem>>
    %dma_start3A_55 = arith.constant 240 : i32
    %dma_start3A_56 = tpu.memref_slice %arg7[%dma_start3A_55] : memref<10000xi32, #tpu.memory_space<vmem>> -> memref<80xi32, #tpu.memory_space<vmem>>
    %dma_start3A_57 = arith.constant 0 : i32
    %dma_start3A_58 = arith.constant 0 : i32
    %dma_start3A_59 = tpu.memref_slice %arg11[%dma_start3A_57, %dma_start3A_58] : memref<10112x8xf32, #tpu.memory_space<vmem_shared>> -> memref<10112x8xf32, #tpu.memory_space<vmem_shared>>
    %dma_start3A_60 = tpu.memref_slice %arg12[%dma_start3A_50] : memref<5x!tpu.dma_semaphore, #tpu.memory_space<semaphore_mem>> -> memref<1x!tpu.dma_semaphore, #tpu.memory_space<semaphore_mem>>
    %dma_start3A_61 = tpu.memref_squeeze %dma_start3A_60 : memref<1x!tpu.dma_semaphore, #tpu.memory_space<semaphore_mem>> -> memref<!tpu.dma_semaphore, #tpu.memory_space<semaphore_mem>>
    tpu.enqueue_indirect_dma source(%dma_start3A_59 : memref<10112x8xf32, #tpu.memory_space<vmem_shared>>) target(%dma_start3A_54 : memref<80x8xf32, #tpu.memory_space<vmem>>) offsets(%dma_start3A_56 : memref<80xi32, #tpu.memory_space<vmem>>) semaphore(%dma_start3A_61 : memref<!tpu.dma_semaphore, #tpu.memory_space<semaphore_mem>>)
    %dma_start3A_62 = arith.constant 4 : i32
    %dma_start3A_63 = arith.constant 4 : i32
    %dma_start3A_64 = arith.constant 0 : i32
    %dma_start3A_65 = arith.constant 0 : i32
    %dma_start3A_66 = tpu.memref_slice %arg9[%dma_start3A_62, %dma_start3A_64, %dma_start3A_65] : memref<5x80x8xf32, #tpu.memory_space<vmem>> -> memref<1x80x8xf32, #tpu.memory_space<vmem>>
    %dma_start3A_67 = tpu.memref_squeeze %dma_start3A_66 : memref<1x80x8xf32, #tpu.memory_space<vmem>> -> memref<80x8xf32, #tpu.memory_space<vmem>>
    %dma_start3A_68 = arith.constant 320 : i32
    %dma_start3A_69 = tpu.memref_slice %arg7[%dma_start3A_68] : memref<10000xi32, #tpu.memory_space<vmem>> -> memref<80xi32, #tpu.memory_space<vmem>>
    %dma_start3A_70 = arith.constant 0 : i32
    %dma_start3A_71 = arith.constant 0 : i32
    %dma_start3A_72 = tpu.memref_slice %arg11[%dma_start3A_70, %dma_start3A_71] : memref<10112x8xf32, #tpu.memory_space<vmem_shared>> -> memref<10112x8xf32, #tpu.memory_space<vmem_shared>>
    %dma_start3A_73 = tpu.memref_slice %arg12[%dma_start3A_63] : memref<5x!tpu.dma_semaphore, #tpu.memory_space<semaphore_mem>> -> memref<1x!tpu.dma_semaphore, #tpu.memory_space<semaphore_mem>>
    %dma_start3A_74 = tpu.memref_squeeze %dma_start3A_73 : memref<1x!tpu.dma_semaphore, #tpu.memory_space<semaphore_mem>> -> memref<!tpu.dma_semaphore, #tpu.memory_space<semaphore_mem>>
    tpu.enqueue_indirect_dma source(%dma_start3A_72 : memref<10112x8xf32, #tpu.memory_space<vmem_shared>>) target(%dma_start3A_67 : memref<80x8xf32, #tpu.memory_space<vmem>>) offsets(%dma_start3A_69 : memref<80xi32, #tpu.memory_space<vmem>>) semaphore(%dma_start3A_74 : memref<!tpu.dma_semaphore, #tpu.memory_space<semaphore_mem>>)
    %scan3A = arith.constant 0 : i32
    %scan3A_75 = arith.constant 0 : i32
    %scan3A_76 = arith.constant 25 : i32
    %scan3A_77 = arith.addi %scan3A_75, %scan3A_76 : i32
    %scan3A_78 = arith.constant 1 : i32
    scf.for %scan3A_85 = %scan3A_75 to %scan3A_77 step %scan3A_78  : i32 {
      %mul3A_86 = arith.constant 5 : i32
      %mul3A_87 = arith.muli %scan3A_85, %mul3A_86 : i32
      %add3A_88 = arith.constant 0 : i32
      %add3A_89 = arith.addi %mul3A_87, %add3A_88 : i32
      %mul3A_90 = arith.constant 80 : i32
      %mul3A_91 = arith.muli %add3A_89, %mul3A_90 : i32
      %dma_wait3A = arith.constant 0 : i32
      %dma_wait3A_92 = arith.constant 0 : i32
      %dma_wait3A_93 = arith.constant 0 : i32
      %dma_wait3A_94 = arith.constant 0 : i32
      %dma_wait3A_95 = tpu.memref_slice %arg9[%dma_wait3A, %dma_wait3A_93, %dma_wait3A_94] : memref<5x80x8xf32, #tpu.memory_space<vmem>> -> memref<1x80x8xf32, #tpu.memory_space<vmem>>
      %dma_wait3A_96 = tpu.memref_squeeze %dma_wait3A_95 : memref<1x80x8xf32, #tpu.memory_space<vmem>> -> memref<80x8xf32, #tpu.memory_space<vmem>>
      %dma_wait3A_97 = tpu.memref_slice %arg7[%mul3A_91] : memref<10000xi32, #tpu.memory_space<vmem>> -> memref<80xi32, #tpu.memory_space<vmem>>
      %dma_wait3A_98 = arith.constant 0 : i32
      %dma_wait3A_99 = arith.constant 0 : i32
      %dma_wait3A_100 = tpu.memref_slice %arg11[%dma_wait3A_98, %dma_wait3A_99] : memref<10112x8xf32, #tpu.memory_space<vmem_shared>> -> memref<10112x8xf32, #tpu.memory_space<vmem_shared>>
      %dma_wait3A_101 = tpu.memref_slice %arg12[%dma_wait3A_92] : memref<5x!tpu.dma_semaphore, #tpu.memory_space<semaphore_mem>> -> memref<1x!tpu.dma_semaphore, #tpu.memory_space<semaphore_mem>>
      %dma_wait3A_102 = tpu.memref_squeeze %dma_wait3A_101 : memref<1x!tpu.dma_semaphore, #tpu.memory_space<semaphore_mem>> -> memref<!tpu.dma_semaphore, #tpu.memory_space<semaphore_mem>>
      tpu.wait_indirect_dma semaphore(%dma_wait3A_102 : memref<!tpu.dma_semaphore, #tpu.memory_space<semaphore_mem>>) src(%dma_wait3A_100 : memref<10112x8xf32, #tpu.memory_space<vmem_shared>>) dst(%dma_wait3A_96 : memref<80x8xf32, #tpu.memory_space<vmem>>)
      %mul3A_103 = arith.constant 80 : i32
      %mul3A_104 = arith.muli %add3A_89, %mul3A_103 : i32
      %run_scoped3A = arith.constant 0 : i32
      "tpu.region"() ({
        %run_scoped3A_223 = tpu.sem_alloc : memref<!tpu.dma_semaphore, #tpu.memory_space<semaphore_mem>>
        %dma_start3A_224 = arith.constant 0 : i32
        %dma_start3A_225 = arith.constant 0 : i32
        %dma_start3A_226 = tpu.memref_slice %arg9[%run_scoped3A, %dma_start3A_224, %dma_start3A_225] : memref<5x80x8xf32, #tpu.memory_space<vmem>> -> memref<1x80x8xf32, #tpu.memory_space<vmem>>
        %dma_start3A_227 = tpu.memref_squeeze %dma_start3A_226 : memref<1x80x8xf32, #tpu.memory_space<vmem>> -> memref<80x8xf32, #tpu.memory_space<vmem>>
        %dma_start3A_228 = tpu.memref_slice %arg8[%mul3A_104] : memref<10000xi32, #tpu.memory_space<vmem>> -> memref<80xi32, #tpu.memory_space<vmem>>
        %dma_start3A_229 = arith.constant 0 : i32
        %dma_start3A_230 = arith.constant 0 : i32
        %dma_start3A_231 = tpu.memref_slice %arg10[%dma_start3A_229, %dma_start3A_230] : memref<10112x8xf32, #tpu.memory_space<vmem_shared>> -> memref<10112x8xf32, #tpu.memory_space<vmem_shared>>
        tpu.enqueue_indirect_dma source(%dma_start3A_227 : memref<80x8xf32, #tpu.memory_space<vmem>>) target(%dma_start3A_231 : memref<10112x8xf32, #tpu.memory_space<vmem_shared>>) offsets(%dma_start3A_228 : memref<80xi32, #tpu.memory_space<vmem>>) semaphore(%run_scoped3A_223 : memref<!tpu.dma_semaphore, #tpu.memory_space<semaphore_mem>>) {add = true}
        %dma_wait3A_232 = arith.constant 0 : i32
        %dma_wait3A_233 = arith.constant 0 : i32
        %dma_wait3A_234 = tpu.memref_slice %arg9[%run_scoped3A, %dma_wait3A_232, %dma_wait3A_233] : memref<5x80x8xf32, #tpu.memory_space<vmem>> -> memref<1x80x8xf32, #tpu.memory_space<vmem>>
        %dma_wait3A_235 = tpu.memref_squeeze %dma_wait3A_234 : memref<1x80x8xf32, #tpu.memory_space<vmem>> -> memref<80x8xf32, #tpu.memory_space<vmem>>
        %dma_wait3A_236 = tpu.memref_slice %arg8[%mul3A_104] : memref<10000xi32, #tpu.memory_space<vmem>> -> memref<80xi32, #tpu.memory_space<vmem>>
        %dma_wait3A_237 = arith.constant 0 : i32
        %dma_wait3A_238 = arith.constant 0 : i32
        %dma_wait3A_239 = tpu.memref_slice %arg10[%dma_wait3A_237, %dma_wait3A_238] : memref<10112x8xf32, #tpu.memory_space<vmem_shared>> -> memref<10112x8xf32, #tpu.memory_space<vmem_shared>>
        tpu.wait_indirect_dma semaphore(%run_scoped3A_223 : memref<!tpu.dma_semaphore, #tpu.memory_space<semaphore_mem>>) src(%dma_wait3A_235 : memref<80x8xf32, #tpu.memory_space<vmem>>) dst(%dma_wait3A_239 : memref<10112x8xf32, #tpu.memory_space<vmem_shared>>)
        tpu.yield
      }) : () -> ()
      %add3A_105 = arith.constant 5 : i32
      %add3A_106 = arith.addi %add3A_89, %add3A_105 : i32
      %lt3A = arith.constant 125 : i32
      %lt3A_107 = arith.cmpi slt, %add3A_106, %lt3A : i32
      %convert_element_type3A_108 = arith.extui %lt3A_107 : i1 to i32
      %cond3A_109 = arith.constant 0 : i32
      %cond3A_110 = arith.cmpi ne, %convert_element_type3A_108, %cond3A_109 : i32
      scf.if %cond3A_110 {
        %mul3A_223 = arith.constant 80 : i32
        %mul3A_224 = arith.muli %add3A_106, %mul3A_223 : i32
        %dma_start3A_225 = arith.constant 0 : i32
        %dma_start3A_226 = arith.constant 0 : i32
        %dma_start3A_227 = arith.constant 0 : i32
        %dma_start3A_228 = arith.constant 0 : i32
        %dma_start3A_229 = tpu.memref_slice %arg9[%dma_start3A_225, %dma_start3A_227, %dma_start3A_228] : memref<5x80x8xf32, #tpu.memory_space<vmem>> -> memref<1x80x8xf32, #tpu.memory_space<vmem>>
        %dma_start3A_230 = tpu.memref_squeeze %dma_start3A_229 : memref<1x80x8xf32, #tpu.memory_space<vmem>> -> memref<80x8xf32, #tpu.memory_space<vmem>>
        %dma_start3A_231 = tpu.memref_slice %arg7[%mul3A_224] : memref<10000xi32, #tpu.memory_space<vmem>> -> memref<80xi32, #tpu.memory_space<vmem>>
        %dma_start3A_232 = arith.constant 0 : i32
        %dma_start3A_233 = arith.constant 0 : i32
        %dma_start3A_234 = tpu.memref_slice %arg11[%dma_start3A_232, %dma_start3A_233] : memref<10112x8xf32, #tpu.memory_space<vmem_shared>> -> memref<10112x8xf32, #tpu.memory_space<vmem_shared>>
        %dma_start3A_235 = tpu.memref_slice %arg12[%dma_start3A_226] : memref<5x!tpu.dma_semaphore, #tpu.memory_space<semaphore_mem>> -> memref<1x!tpu.dma_semaphore, #tpu.memory_space<semaphore_mem>>
        %dma_start3A_236 = tpu.memref_squeeze %dma_start3A_235 : memref<1x!tpu.dma_semaphore, #tpu.memory_space<semaphore_mem>> -> memref<!tpu.dma_semaphore, #tpu.memory_space<semaphore_mem>>
        tpu.enqueue_indirect_dma source(%dma_start3A_234 : memref<10112x8xf32, #tpu.memory_space<vmem_shared>>) target(%dma_start3A_230 : memref<80x8xf32, #tpu.memory_space<vmem>>) offsets(%dma_start3A_231 : memref<80xi32, #tpu.memory_space<vmem>>) semaphore(%dma_start3A_236 : memref<!tpu.dma_semaphore, #tpu.memory_space<semaphore_mem>>)
      } else {
      }
      %mul3A_111 = arith.constant 5 : i32
      %mul3A_112 = arith.muli %scan3A_85, %mul3A_111 : i32
      %add3A_113 = arith.constant 1 : i32
      %add3A_114 = arith.addi %mul3A_112, %add3A_113 : i32
      %mul3A_115 = arith.constant 80 : i32
      %mul3A_116 = arith.muli %add3A_114, %mul3A_115 : i32
      %dma_wait3A_117 = arith.constant 1 : i32
      %dma_wait3A_118 = arith.constant 1 : i32
      %dma_wait3A_119 = arith.constant 0 : i32
      %dma_wait3A_120 = arith.constant 0 : i32
      %dma_wait3A_121 = tpu.memref_slice %arg9[%dma_wait3A_117, %dma_wait3A_119, %dma_wait3A_120] : memref<5x80x8xf32, #tpu.memory_space<vmem>> -> memref<1x80x8xf32, #tpu.memory_space<vmem>>
      %dma_wait3A_122 = tpu.memref_squeeze %dma_wait3A_121 : memref<1x80x8xf32, #tpu.memory_space<vmem>> -> memref<80x8xf32, #tpu.memory_space<vmem>>
      %dma_wait3A_123 = tpu.memref_slice %arg7[%mul3A_116] : memref<10000xi32, #tpu.memory_space<vmem>> -> memref<80xi32, #tpu.memory_space<vmem>>
      %dma_wait3A_124 = arith.constant 0 : i32
      %dma_wait3A_125 = arith.constant 0 : i32
      %dma_wait3A_126 = tpu.memref_slice %arg11[%dma_wait3A_124, %dma_wait3A_125] : memref<10112x8xf32, #tpu.memory_space<vmem_shared>> -> memref<10112x8xf32, #tpu.memory_space<vmem_shared>>
      %dma_wait3A_127 = tpu.memref_slice %arg12[%dma_wait3A_118] : memref<5x!tpu.dma_semaphore, #tpu.memory_space<semaphore_mem>> -> memref<1x!tpu.dma_semaphore, #tpu.memory_space<semaphore_mem>>
      %dma_wait3A_128 = tpu.memref_squeeze %dma_wait3A_127 : memref<1x!tpu.dma_semaphore, #tpu.memory_space<semaphore_mem>> -> memref<!tpu.dma_semaphore, #tpu.memory_space<semaphore_mem>>
      tpu.wait_indirect_dma semaphore(%dma_wait3A_128 : memref<!tpu.dma_semaphore, #tpu.memory_space<semaphore_mem>>) src(%dma_wait3A_126 : memref<10112x8xf32, #tpu.memory_space<vmem_shared>>) dst(%dma_wait3A_122 : memref<80x8xf32, #tpu.memory_space<vmem>>)
      %mul3A_129 = arith.constant 80 : i32
      %mul3A_130 = arith.muli %add3A_114, %mul3A_129 : i32
      %run_scoped3A_131 = arith.constant 1 : i32
      "tpu.region"() ({
        %run_scoped3A_223 = tpu.sem_alloc : memref<!tpu.dma_semaphore, #tpu.memory_space<semaphore_mem>>
        %dma_start3A_224 = arith.constant 0 : i32
        %dma_start3A_225 = arith.constant 0 : i32
        %dma_start3A_226 = tpu.memref_slice %arg9[%run_scoped3A_131, %dma_start3A_224, %dma_start3A_225] : memref<5x80x8xf32, #tpu.memory_space<vmem>> -> memref<1x80x8xf32, #tpu.memory_space<vmem>>
        %dma_start3A_227 = tpu.memref_squeeze %dma_start3A_226 : memref<1x80x8xf32, #tpu.memory_space<vmem>> -> memref<80x8xf32, #tpu.memory_space<vmem>>
        %dma_start3A_228 = tpu.memref_slice %arg8[%mul3A_130] : memref<10000xi32, #tpu.memory_space<vmem>> -> memref<80xi32, #tpu.memory_space<vmem>>
        %dma_start3A_229 = arith.constant 0 : i32
        %dma_start3A_230 = arith.constant 0 : i32
        %dma_start3A_231 = tpu.memref_slice %arg10[%dma_start3A_229, %dma_start3A_230] : memref<10112x8xf32, #tpu.memory_space<vmem_shared>> -> memref<10112x8xf32, #tpu.memory_space<vmem_shared>>
        tpu.enqueue_indirect_dma source(%dma_start3A_227 : memref<80x8xf32, #tpu.memory_space<vmem>>) target(%dma_start3A_231 : memref<10112x8xf32, #tpu.memory_space<vmem_shared>>) offsets(%dma_start3A_228 : memref<80xi32, #tpu.memory_space<vmem>>) semaphore(%run_scoped3A_223 : memref<!tpu.dma_semaphore, #tpu.memory_space<semaphore_mem>>) {add = true}
        %dma_wait3A_232 = arith.constant 0 : i32
        %dma_wait3A_233 = arith.constant 0 : i32
        %dma_wait3A_234 = tpu.memref_slice %arg9[%run_scoped3A_131, %dma_wait3A_232, %dma_wait3A_233] : memref<5x80x8xf32, #tpu.memory_space<vmem>> -> memref<1x80x8xf32, #tpu.memory_space<vmem>>
        %dma_wait3A_235 = tpu.memref_squeeze %dma_wait3A_234 : memref<1x80x8xf32, #tpu.memory_space<vmem>> -> memref<80x8xf32, #tpu.memory_space<vmem>>
        %dma_wait3A_236 = tpu.memref_slice %arg8[%mul3A_130] : memref<10000xi32, #tpu.memory_space<vmem>> -> memref<80xi32, #tpu.memory_space<vmem>>
        %dma_wait3A_237 = arith.constant 0 : i32
        %dma_wait3A_238 = arith.constant 0 : i32
        %dma_wait3A_239 = tpu.memref_slice %arg10[%dma_wait3A_237, %dma_wait3A_238] : memref<10112x8xf32, #tpu.memory_space<vmem_shared>> -> memref<10112x8xf32, #tpu.memory_space<vmem_shared>>
        tpu.wait_indirect_dma semaphore(%run_scoped3A_223 : memref<!tpu.dma_semaphore, #tpu.memory_space<semaphore_mem>>) src(%dma_wait3A_235 : memref<80x8xf32, #tpu.memory_space<vmem>>) dst(%dma_wait3A_239 : memref<10112x8xf32, #tpu.memory_space<vmem_shared>>)
        tpu.yield
      }) : () -> ()
      %add3A_132 = arith.constant 5 : i32
      %add3A_133 = arith.addi %add3A_114, %add3A_132 : i32
      %lt3A_134 = arith.constant 125 : i32
      %lt3A_135 = arith.cmpi slt, %add3A_133, %lt3A_134 : i32
      %convert_element_type3A_136 = arith.extui %lt3A_135 : i1 to i32
      %cond3A_137 = arith.constant 0 : i32
      %cond3A_138 = arith.cmpi ne, %convert_element_type3A_136, %cond3A_137 : i32
      scf.if %cond3A_138 {
        %mul3A_223 = arith.constant 80 : i32
        %mul3A_224 = arith.muli %add3A_133, %mul3A_223 : i32
        %dma_start3A_225 = arith.constant 1 : i32
        %dma_start3A_226 = arith.constant 1 : i32
        %dma_start3A_227 = arith.constant 0 : i32
        %dma_start3A_228 = arith.constant 0 : i32
        %dma_start3A_229 = tpu.memref_slice %arg9[%dma_start3A_225, %dma_start3A_227, %dma_start3A_228] : memref<5x80x8xf32, #tpu.memory_space<vmem>> -> memref<1x80x8xf32, #tpu.memory_space<vmem>>
        %dma_start3A_230 = tpu.memref_squeeze %dma_start3A_229 : memref<1x80x8xf32, #tpu.memory_space<vmem>> -> memref<80x8xf32, #tpu.memory_space<vmem>>
        %dma_start3A_231 = tpu.memref_slice %arg7[%mul3A_224] : memref<10000xi32, #tpu.memory_space<vmem>> -> memref<80xi32, #tpu.memory_space<vmem>>
        %dma_start3A_232 = arith.constant 0 : i32
        %dma_start3A_233 = arith.constant 0 : i32
        %dma_start3A_234 = tpu.memref_slice %arg11[%dma_start3A_232, %dma_start3A_233] : memref<10112x8xf32, #tpu.memory_space<vmem_shared>> -> memref<10112x8xf32, #tpu.memory_space<vmem_shared>>
        %dma_start3A_235 = tpu.memref_slice %arg12[%dma_start3A_226] : memref<5x!tpu.dma_semaphore, #tpu.memory_space<semaphore_mem>> -> memref<1x!tpu.dma_semaphore, #tpu.memory_space<semaphore_mem>>
        %dma_start3A_236 = tpu.memref_squeeze %dma_start3A_235 : memref<1x!tpu.dma_semaphore, #tpu.memory_space<semaphore_mem>> -> memref<!tpu.dma_semaphore, #tpu.memory_space<semaphore_mem>>
        tpu.enqueue_indirect_dma source(%dma_start3A_234 : memref<10112x8xf32, #tpu.memory_space<vmem_shared>>) target(%dma_start3A_230 : memref<80x8xf32, #tpu.memory_space<vmem>>) offsets(%dma_start3A_231 : memref<80xi32, #tpu.memory_space<vmem>>) semaphore(%dma_start3A_236 : memref<!tpu.dma_semaphore, #tpu.memory_space<semaphore_mem>>)
      } else {
      }
      %mul3A_139 = arith.constant 5 : i32
      %mul3A_140 = arith.muli %scan3A_85, %mul3A_139 : i32
      %add3A_141 = arith.constant 2 : i32
      %add3A_142 = arith.addi %mul3A_140, %add3A_141 : i32
      %mul3A_143 = arith.constant 80 : i32
      %mul3A_144 = arith.muli %add3A_142, %mul3A_143 : i32
      %dma_wait3A_145 = arith.constant 2 : i32
      %dma_wait3A_146 = arith.constant 2 : i32
      %dma_wait3A_147 = arith.constant 0 : i32
      %dma_wait3A_148 = arith.constant 0 : i32
      %dma_wait3A_149 = tpu.memref_slice %arg9[%dma_wait3A_145, %dma_wait3A_147, %dma_wait3A_148] : memref<5x80x8xf32, #tpu.memory_space<vmem>> -> memref<1x80x8xf32, #tpu.memory_space<vmem>>
      %dma_wait3A_150 = tpu.memref_squeeze %dma_wait3A_149 : memref<1x80x8xf32, #tpu.memory_space<vmem>> -> memref<80x8xf32, #tpu.memory_space<vmem>>
      %dma_wait3A_151 = tpu.memref_slice %arg7[%mul3A_144] : memref<10000xi32, #tpu.memory_space<vmem>> -> memref<80xi32, #tpu.memory_space<vmem>>
      %dma_wait3A_152 = arith.constant 0 : i32
      %dma_wait3A_153 = arith.constant 0 : i32
      %dma_wait3A_154 = tpu.memref_slice %arg11[%dma_wait3A_152, %dma_wait3A_153] : memref<10112x8xf32, #tpu.memory_space<vmem_shared>> -> memref<10112x8xf32, #tpu.memory_space<vmem_shared>>
      %dma_wait3A_155 = tpu.memref_slice %arg12[%dma_wait3A_146] : memref<5x!tpu.dma_semaphore, #tpu.memory_space<semaphore_mem>> -> memref<1x!tpu.dma_semaphore, #tpu.memory_space<semaphore_mem>>
      %dma_wait3A_156 = tpu.memref_squeeze %dma_wait3A_155 : memref<1x!tpu.dma_semaphore, #tpu.memory_space<semaphore_mem>> -> memref<!tpu.dma_semaphore, #tpu.memory_space<semaphore_mem>>
      tpu.wait_indirect_dma semaphore(%dma_wait3A_156 : memref<!tpu.dma_semaphore, #tpu.memory_space<semaphore_mem>>) src(%dma_wait3A_154 : memref<10112x8xf32, #tpu.memory_space<vmem_shared>>) dst(%dma_wait3A_150 : memref<80x8xf32, #tpu.memory_space<vmem>>)
      %mul3A_157 = arith.constant 80 : i32
      %mul3A_158 = arith.muli %add3A_142, %mul3A_157 : i32
      %run_scoped3A_159 = arith.constant 2 : i32
      "tpu.region"() ({
        %run_scoped3A_223 = tpu.sem_alloc : memref<!tpu.dma_semaphore, #tpu.memory_space<semaphore_mem>>
        %dma_start3A_224 = arith.constant 0 : i32
        %dma_start3A_225 = arith.constant 0 : i32
        %dma_start3A_226 = tpu.memref_slice %arg9[%run_scoped3A_159, %dma_start3A_224, %dma_start3A_225] : memref<5x80x8xf32, #tpu.memory_space<vmem>> -> memref<1x80x8xf32, #tpu.memory_space<vmem>>
        %dma_start3A_227 = tpu.memref_squeeze %dma_start3A_226 : memref<1x80x8xf32, #tpu.memory_space<vmem>> -> memref<80x8xf32, #tpu.memory_space<vmem>>
        %dma_start3A_228 = tpu.memref_slice %arg8[%mul3A_158] : memref<10000xi32, #tpu.memory_space<vmem>> -> memref<80xi32, #tpu.memory_space<vmem>>
        %dma_start3A_229 = arith.constant 0 : i32
        %dma_start3A_230 = arith.constant 0 : i32
        %dma_start3A_231 = tpu.memref_slice %arg10[%dma_start3A_229, %dma_start3A_230] : memref<10112x8xf32, #tpu.memory_space<vmem_shared>> -> memref<10112x8xf32, #tpu.memory_space<vmem_shared>>
        tpu.enqueue_indirect_dma source(%dma_start3A_227 : memref<80x8xf32, #tpu.memory_space<vmem>>) target(%dma_start3A_231 : memref<10112x8xf32, #tpu.memory_space<vmem_shared>>) offsets(%dma_start3A_228 : memref<80xi32, #tpu.memory_space<vmem>>) semaphore(%run_scoped3A_223 : memref<!tpu.dma_semaphore, #tpu.memory_space<semaphore_mem>>) {add = true}
        %dma_wait3A_232 = arith.constant 0 : i32
        %dma_wait3A_233 = arith.constant 0 : i32
        %dma_wait3A_234 = tpu.memref_slice %arg9[%run_scoped3A_159, %dma_wait3A_232, %dma_wait3A_233] : memref<5x80x8xf32, #tpu.memory_space<vmem>> -> memref<1x80x8xf32, #tpu.memory_space<vmem>>
        %dma_wait3A_235 = tpu.memref_squeeze %dma_wait3A_234 : memref<1x80x8xf32, #tpu.memory_space<vmem>> -> memref<80x8xf32, #tpu.memory_space<vmem>>
        %dma_wait3A_236 = tpu.memref_slice %arg8[%mul3A_158] : memref<10000xi32, #tpu.memory_space<vmem>> -> memref<80xi32, #tpu.memory_space<vmem>>
        %dma_wait3A_237 = arith.constant 0 : i32
        %dma_wait3A_238 = arith.constant 0 : i32
        %dma_wait3A_239 = tpu.memref_slice %arg10[%dma_wait3A_237, %dma_wait3A_238] : memref<10112x8xf32, #tpu.memory_space<vmem_shared>> -> memref<10112x8xf32, #tpu.memory_space<vmem_shared>>
        tpu.wait_indirect_dma semaphore(%run_scoped3A_223 : memref<!tpu.dma_semaphore, #tpu.memory_space<semaphore_mem>>) src(%dma_wait3A_235 : memref<80x8xf32, #tpu.memory_space<vmem>>) dst(%dma_wait3A_239 : memref<10112x8xf32, #tpu.memory_space<vmem_shared>>)
        tpu.yield
      }) : () -> ()
      %add3A_160 = arith.constant 5 : i32
      %add3A_161 = arith.addi %add3A_142, %add3A_160 : i32
      %lt3A_162 = arith.constant 125 : i32
      %lt3A_163 = arith.cmpi slt, %add3A_161, %lt3A_162 : i32
      %convert_element_type3A_164 = arith.extui %lt3A_163 : i1 to i32
      %cond3A_165 = arith.constant 0 : i32
      %cond3A_166 = arith.cmpi ne, %convert_element_type3A_164, %cond3A_165 : i32
      scf.if %cond3A_166 {
        %mul3A_223 = arith.constant 80 : i32
        %mul3A_224 = arith.muli %add3A_161, %mul3A_223 : i32
        %dma_start3A_225 = arith.constant 2 : i32
        %dma_start3A_226 = arith.constant 2 : i32
        %dma_start3A_227 = arith.constant 0 : i32
        %dma_start3A_228 = arith.constant 0 : i32
        %dma_start3A_229 = tpu.memref_slice %arg9[%dma_start3A_225, %dma_start3A_227, %dma_start3A_228] : memref<5x80x8xf32, #tpu.memory_space<vmem>> -> memref<1x80x8xf32, #tpu.memory_space<vmem>>
        %dma_start3A_230 = tpu.memref_squeeze %dma_start3A_229 : memref<1x80x8xf32, #tpu.memory_space<vmem>> -> memref<80x8xf32, #tpu.memory_space<vmem>>
        %dma_start3A_231 = tpu.memref_slice %arg7[%mul3A_224] : memref<10000xi32, #tpu.memory_space<vmem>> -> memref<80xi32, #tpu.memory_space<vmem>>
        %dma_start3A_232 = arith.constant 0 : i32
        %dma_start3A_233 = arith.constant 0 : i32
        %dma_start3A_234 = tpu.memref_slice %arg11[%dma_start3A_232, %dma_start3A_233] : memref<10112x8xf32, #tpu.memory_space<vmem_shared>> -> memref<10112x8xf32, #tpu.memory_space<vmem_shared>>
        %dma_start3A_235 = tpu.memref_slice %arg12[%dma_start3A_226] : memref<5x!tpu.dma_semaphore, #tpu.memory_space<semaphore_mem>> -> memref<1x!tpu.dma_semaphore, #tpu.memory_space<semaphore_mem>>
        %dma_start3A_236 = tpu.memref_squeeze %dma_start3A_235 : memref<1x!tpu.dma_semaphore, #tpu.memory_space<semaphore_mem>> -> memref<!tpu.dma_semaphore, #tpu.memory_space<semaphore_mem>>
        tpu.enqueue_indirect_dma source(%dma_start3A_234 : memref<10112x8xf32, #tpu.memory_space<vmem_shared>>) target(%dma_start3A_230 : memref<80x8xf32, #tpu.memory_space<vmem>>) offsets(%dma_start3A_231 : memref<80xi32, #tpu.memory_space<vmem>>) semaphore(%dma_start3A_236 : memref<!tpu.dma_semaphore, #tpu.memory_space<semaphore_mem>>)
      } else {
      }
      %mul3A_167 = arith.constant 5 : i32
      %mul3A_168 = arith.muli %scan3A_85, %mul3A_167 : i32
      %add3A_169 = arith.constant 3 : i32
      %add3A_170 = arith.addi %mul3A_168, %add3A_169 : i32
      %mul3A_171 = arith.constant 80 : i32
      %mul3A_172 = arith.muli %add3A_170, %mul3A_171 : i32
      %dma_wait3A_173 = arith.constant 3 : i32
      %dma_wait3A_174 = arith.constant 3 : i32
      %dma_wait3A_175 = arith.constant 0 : i32
      %dma_wait3A_176 = arith.constant 0 : i32
      %dma_wait3A_177 = tpu.memref_slice %arg9[%dma_wait3A_173, %dma_wait3A_175, %dma_wait3A_176] : memref<5x80x8xf32, #tpu.memory_space<vmem>> -> memref<1x80x8xf32, #tpu.memory_space<vmem>>
      %dma_wait3A_178 = tpu.memref_squeeze %dma_wait3A_177 : memref<1x80x8xf32, #tpu.memory_space<vmem>> -> memref<80x8xf32, #tpu.memory_space<vmem>>
      %dma_wait3A_179 = tpu.memref_slice %arg7[%mul3A_172] : memref<10000xi32, #tpu.memory_space<vmem>> -> memref<80xi32, #tpu.memory_space<vmem>>
      %dma_wait3A_180 = arith.constant 0 : i32
      %dma_wait3A_181 = arith.constant 0 : i32
      %dma_wait3A_182 = tpu.memref_slice %arg11[%dma_wait3A_180, %dma_wait3A_181] : memref<10112x8xf32, #tpu.memory_space<vmem_shared>> -> memref<10112x8xf32, #tpu.memory_space<vmem_shared>>
      %dma_wait3A_183 = tpu.memref_slice %arg12[%dma_wait3A_174] : memref<5x!tpu.dma_semaphore, #tpu.memory_space<semaphore_mem>> -> memref<1x!tpu.dma_semaphore, #tpu.memory_space<semaphore_mem>>
      %dma_wait3A_184 = tpu.memref_squeeze %dma_wait3A_183 : memref<1x!tpu.dma_semaphore, #tpu.memory_space<semaphore_mem>> -> memref<!tpu.dma_semaphore, #tpu.memory_space<semaphore_mem>>
      tpu.wait_indirect_dma semaphore(%dma_wait3A_184 : memref<!tpu.dma_semaphore, #tpu.memory_space<semaphore_mem>>) src(%dma_wait3A_182 : memref<10112x8xf32, #tpu.memory_space<vmem_shared>>) dst(%dma_wait3A_178 : memref<80x8xf32, #tpu.memory_space<vmem>>)
      %mul3A_185 = arith.constant 80 : i32
      %mul3A_186 = arith.muli %add3A_170, %mul3A_185 : i32
      %run_scoped3A_187 = arith.constant 3 : i32
      "tpu.region"() ({
        %run_scoped3A_223 = tpu.sem_alloc : memref<!tpu.dma_semaphore, #tpu.memory_space<semaphore_mem>>
        %dma_start3A_224 = arith.constant 0 : i32
        %dma_start3A_225 = arith.constant 0 : i32
        %dma_start3A_226 = tpu.memref_slice %arg9[%run_scoped3A_187, %dma_start3A_224, %dma_start3A_225] : memref<5x80x8xf32, #tpu.memory_space<vmem>> -> memref<1x80x8xf32, #tpu.memory_space<vmem>>
        %dma_start3A_227 = tpu.memref_squeeze %dma_start3A_226 : memref<1x80x8xf32, #tpu.memory_space<vmem>> -> memref<80x8xf32, #tpu.memory_space<vmem>>
        %dma_start3A_228 = tpu.memref_slice %arg8[%mul3A_186] : memref<10000xi32, #tpu.memory_space<vmem>> -> memref<80xi32, #tpu.memory_space<vmem>>
        %dma_start3A_229 = arith.constant 0 : i32
        %dma_start3A_230 = arith.constant 0 : i32
        %dma_start3A_231 = tpu.memref_slice %arg10[%dma_start3A_229, %dma_start3A_230] : memref<10112x8xf32, #tpu.memory_space<vmem_shared>> -> memref<10112x8xf32, #tpu.memory_space<vmem_shared>>
        tpu.enqueue_indirect_dma source(%dma_start3A_227 : memref<80x8xf32, #tpu.memory_space<vmem>>) target(%dma_start3A_231 : memref<10112x8xf32, #tpu.memory_space<vmem_shared>>) offsets(%dma_start3A_228 : memref<80xi32, #tpu.memory_space<vmem>>) semaphore(%run_scoped3A_223 : memref<!tpu.dma_semaphore, #tpu.memory_space<semaphore_mem>>) {add = true}
        %dma_wait3A_232 = arith.constant 0 : i32
        %dma_wait3A_233 = arith.constant 0 : i32
        %dma_wait3A_234 = tpu.memref_slice %arg9[%run_scoped3A_187, %dma_wait3A_232, %dma_wait3A_233] : memref<5x80x8xf32, #tpu.memory_space<vmem>> -> memref<1x80x8xf32, #tpu.memory_space<vmem>>
        %dma_wait3A_235 = tpu.memref_squeeze %dma_wait3A_234 : memref<1x80x8xf32, #tpu.memory_space<vmem>> -> memref<80x8xf32, #tpu.memory_space<vmem>>
        %dma_wait3A_236 = tpu.memref_slice %arg8[%mul3A_186] : memref<10000xi32, #tpu.memory_space<vmem>> -> memref<80xi32, #tpu.memory_space<vmem>>
        %dma_wait3A_237 = arith.constant 0 : i32
        %dma_wait3A_238 = arith.constant 0 : i32
        %dma_wait3A_239 = tpu.memref_slice %arg10[%dma_wait3A_237, %dma_wait3A_238] : memref<10112x8xf32, #tpu.memory_space<vmem_shared>> -> memref<10112x8xf32, #tpu.memory_space<vmem_shared>>
        tpu.wait_indirect_dma semaphore(%run_scoped3A_223 : memref<!tpu.dma_semaphore, #tpu.memory_space<semaphore_mem>>) src(%dma_wait3A_235 : memref<80x8xf32, #tpu.memory_space<vmem>>) dst(%dma_wait3A_239 : memref<10112x8xf32, #tpu.memory_space<vmem_shared>>)
        tpu.yield
      }) : () -> ()
      %add3A_188 = arith.constant 5 : i32
      %add3A_189 = arith.addi %add3A_170, %add3A_188 : i32
      %lt3A_190 = arith.constant 125 : i32
      %lt3A_191 = arith.cmpi slt, %add3A_189, %lt3A_190 : i32
      %convert_element_type3A_192 = arith.extui %lt3A_191 : i1 to i32
      %cond3A_193 = arith.constant 0 : i32
      %cond3A_194 = arith.cmpi ne, %convert_element_type3A_192, %cond3A_193 : i32
      scf.if %cond3A_194 {
        %mul3A_223 = arith.constant 80 : i32
        %mul3A_224 = arith.muli %add3A_189, %mul3A_223 : i32
        %dma_start3A_225 = arith.constant 3 : i32
        %dma_start3A_226 = arith.constant 3 : i32
        %dma_start3A_227 = arith.constant 0 : i32
        %dma_start3A_228 = arith.constant 0 : i32
        %dma_start3A_229 = tpu.memref_slice %arg9[%dma_start3A_225, %dma_start3A_227, %dma_start3A_228] : memref<5x80x8xf32, #tpu.memory_space<vmem>> -> memref<1x80x8xf32, #tpu.memory_space<vmem>>
        %dma_start3A_230 = tpu.memref_squeeze %dma_start3A_229 : memref<1x80x8xf32, #tpu.memory_space<vmem>> -> memref<80x8xf32, #tpu.memory_space<vmem>>
        %dma_start3A_231 = tpu.memref_slice %arg7[%mul3A_224] : memref<10000xi32, #tpu.memory_space<vmem>> -> memref<80xi32, #tpu.memory_space<vmem>>
        %dma_start3A_232 = arith.constant 0 : i32
        %dma_start3A_233 = arith.constant 0 : i32
        %dma_start3A_234 = tpu.memref_slice %arg11[%dma_start3A_232, %dma_start3A_233] : memref<10112x8xf32, #tpu.memory_space<vmem_shared>> -> memref<10112x8xf32, #tpu.memory_space<vmem_shared>>
        %dma_start3A_235 = tpu.memref_slice %arg12[%dma_start3A_226] : memref<5x!tpu.dma_semaphore, #tpu.memory_space<semaphore_mem>> -> memref<1x!tpu.dma_semaphore, #tpu.memory_space<semaphore_mem>>
        %dma_start3A_236 = tpu.memref_squeeze %dma_start3A_235 : memref<1x!tpu.dma_semaphore, #tpu.memory_space<semaphore_mem>> -> memref<!tpu.dma_semaphore, #tpu.memory_space<semaphore_mem>>
        tpu.enqueue_indirect_dma source(%dma_start3A_234 : memref<10112x8xf32, #tpu.memory_space<vmem_shared>>) target(%dma_start3A_230 : memref<80x8xf32, #tpu.memory_space<vmem>>) offsets(%dma_start3A_231 : memref<80xi32, #tpu.memory_space<vmem>>) semaphore(%dma_start3A_236 : memref<!tpu.dma_semaphore, #tpu.memory_space<semaphore_mem>>)
      } else {
      }
      %mul3A_195 = arith.constant 5 : i32
      %mul3A_196 = arith.muli %scan3A_85, %mul3A_195 : i32
      %add3A_197 = arith.constant 4 : i32
      %add3A_198 = arith.addi %mul3A_196, %add3A_197 : i32
      %mul3A_199 = arith.constant 80 : i32
      %mul3A_200 = arith.muli %add3A_198, %mul3A_199 : i32
      %dma_wait3A_201 = arith.constant 4 : i32
      %dma_wait3A_202 = arith.constant 4 : i32
      %dma_wait3A_203 = arith.constant 0 : i32
      %dma_wait3A_204 = arith.constant 0 : i32
      %dma_wait3A_205 = tpu.memref_slice %arg9[%dma_wait3A_201, %dma_wait3A_203, %dma_wait3A_204] : memref<5x80x8xf32, #tpu.memory_space<vmem>> -> memref<1x80x8xf32, #tpu.memory_space<vmem>>
      %dma_wait3A_206 = tpu.memref_squeeze %dma_wait3A_205 : memref<1x80x8xf32, #tpu.memory_space<vmem>> -> memref<80x8xf32, #tpu.memory_space<vmem>>
      %dma_wait3A_207 = tpu.memref_slice %arg7[%mul3A_200] : memref<10000xi32, #tpu.memory_space<vmem>> -> memref<80xi32, #tpu.memory_space<vmem>>
      %dma_wait3A_208 = arith.constant 0 : i32
      %dma_wait3A_209 = arith.constant 0 : i32
      %dma_wait3A_210 = tpu.memref_slice %arg11[%dma_wait3A_208, %dma_wait3A_209] : memref<10112x8xf32, #tpu.memory_space<vmem_shared>> -> memref<10112x8xf32, #tpu.memory_space<vmem_shared>>
      %dma_wait3A_211 = tpu.memref_slice %arg12[%dma_wait3A_202] : memref<5x!tpu.dma_semaphore, #tpu.memory_space<semaphore_mem>> -> memref<1x!tpu.dma_semaphore, #tpu.memory_space<semaphore_mem>>
      %dma_wait3A_212 = tpu.memref_squeeze %dma_wait3A_211 : memref<1x!tpu.dma_semaphore, #tpu.memory_space<semaphore_mem>> -> memref<!tpu.dma_semaphore, #tpu.memory_space<semaphore_mem>>
      tpu.wait_indirect_dma semaphore(%dma_wait3A_212 : memref<!tpu.dma_semaphore, #tpu.memory_space<semaphore_mem>>) src(%dma_wait3A_210 : memref<10112x8xf32, #tpu.memory_space<vmem_shared>>) dst(%dma_wait3A_206 : memref<80x8xf32, #tpu.memory_space<vmem>>)
      %mul3A_213 = arith.constant 80 : i32
      %mul3A_214 = arith.muli %add3A_198, %mul3A_213 : i32
      %run_scoped3A_215 = arith.constant 4 : i32
      "tpu.region"() ({
        %run_scoped3A_223 = tpu.sem_alloc : memref<!tpu.dma_semaphore, #tpu.memory_space<semaphore_mem>>
        %dma_start3A_224 = arith.constant 0 : i32
        %dma_start3A_225 = arith.constant 0 : i32
        %dma_start3A_226 = tpu.memref_slice %arg9[%run_scoped3A_215, %dma_start3A_224, %dma_start3A_225] : memref<5x80x8xf32, #tpu.memory_space<vmem>> -> memref<1x80x8xf32, #tpu.memory_space<vmem>>
        %dma_start3A_227 = tpu.memref_squeeze %dma_start3A_226 : memref<1x80x8xf32, #tpu.memory_space<vmem>> -> memref<80x8xf32, #tpu.memory_space<vmem>>
        %dma_start3A_228 = tpu.memref_slice %arg8[%mul3A_214] : memref<10000xi32, #tpu.memory_space<vmem>> -> memref<80xi32, #tpu.memory_space<vmem>>
        %dma_start3A_229 = arith.constant 0 : i32
        %dma_start3A_230 = arith.constant 0 : i32
        %dma_start3A_231 = tpu.memref_slice %arg10[%dma_start3A_229, %dma_start3A_230] : memref<10112x8xf32, #tpu.memory_space<vmem_shared>> -> memref<10112x8xf32, #tpu.memory_space<vmem_shared>>
        tpu.enqueue_indirect_dma source(%dma_start3A_227 : memref<80x8xf32, #tpu.memory_space<vmem>>) target(%dma_start3A_231 : memref<10112x8xf32, #tpu.memory_space<vmem_shared>>) offsets(%dma_start3A_228 : memref<80xi32, #tpu.memory_space<vmem>>) semaphore(%run_scoped3A_223 : memref<!tpu.dma_semaphore, #tpu.memory_space<semaphore_mem>>) {add = true}
        %dma_wait3A_232 = arith.constant 0 : i32
        %dma_wait3A_233 = arith.constant 0 : i32
        %dma_wait3A_234 = tpu.memref_slice %arg9[%run_scoped3A_215, %dma_wait3A_232, %dma_wait3A_233] : memref<5x80x8xf32, #tpu.memory_space<vmem>> -> memref<1x80x8xf32, #tpu.memory_space<vmem>>
        %dma_wait3A_235 = tpu.memref_squeeze %dma_wait3A_234 : memref<1x80x8xf32, #tpu.memory_space<vmem>> -> memref<80x8xf32, #tpu.memory_space<vmem>>
        %dma_wait3A_236 = tpu.memref_slice %arg8[%mul3A_214] : memref<10000xi32, #tpu.memory_space<vmem>> -> memref<80xi32, #tpu.memory_space<vmem>>
        %dma_wait3A_237 = arith.constant 0 : i32
        %dma_wait3A_238 = arith.constant 0 : i32
        %dma_wait3A_239 = tpu.memref_slice %arg10[%dma_wait3A_237, %dma_wait3A_238] : memref<10112x8xf32, #tpu.memory_space<vmem_shared>> -> memref<10112x8xf32, #tpu.memory_space<vmem_shared>>
        tpu.wait_indirect_dma semaphore(%run_scoped3A_223 : memref<!tpu.dma_semaphore, #tpu.memory_space<semaphore_mem>>) src(%dma_wait3A_235 : memref<80x8xf32, #tpu.memory_space<vmem>>) dst(%dma_wait3A_239 : memref<10112x8xf32, #tpu.memory_space<vmem_shared>>)
        tpu.yield
      }) : () -> ()
      %add3A_216 = arith.constant 5 : i32
      %add3A_217 = arith.addi %add3A_198, %add3A_216 : i32
      %lt3A_218 = arith.constant 125 : i32
      %lt3A_219 = arith.cmpi slt, %add3A_217, %lt3A_218 : i32
      %convert_element_type3A_220 = arith.extui %lt3A_219 : i1 to i32
      %cond3A_221 = arith.constant 0 : i32
      %cond3A_222 = arith.cmpi ne, %convert_element_type3A_220, %cond3A_221 : i32
      scf.if %cond3A_222 {
        %mul3A_223 = arith.constant 80 : i32
        %mul3A_224 = arith.muli %add3A_217, %mul3A_223 : i32
        %dma_start3A_225 = arith.constant 4 : i32
        %dma_start3A_226 = arith.constant 4 : i32
        %dma_start3A_227 = arith.constant 0 : i32
        %dma_start3A_228 = arith.constant 0 : i32
        %dma_start3A_229 = tpu.memref_slice %arg9[%dma_start3A_225, %dma_start3A_227, %dma_start3A_228] : memref<5x80x8xf32, #tpu.memory_space<vmem>> -> memref<1x80x8xf32, #tpu.memory_space<vmem>>
        %dma_start3A_230 = tpu.memref_squeeze %dma_start3A_229 : memref<1x80x8xf32, #tpu.memory_space<vmem>> -> memref<80x8xf32, #tpu.memory_space<vmem>>
        %dma_start3A_231 = tpu.memref_slice %arg7[%mul3A_224] : memref<10000xi32, #tpu.memory_space<vmem>> -> memref<80xi32, #tpu.memory_space<vmem>>
        %dma_start3A_232 = arith.constant 0 : i32
        %dma_start3A_233 = arith.constant 0 : i32
        %dma_start3A_234 = tpu.memref_slice %arg11[%dma_start3A_232, %dma_start3A_233] : memref<10112x8xf32, #tpu.memory_space<vmem_shared>> -> memref<10112x8xf32, #tpu.memory_space<vmem_shared>>
        %dma_start3A_235 = tpu.memref_slice %arg12[%dma_start3A_226] : memref<5x!tpu.dma_semaphore, #tpu.memory_space<semaphore_mem>> -> memref<1x!tpu.dma_semaphore, #tpu.memory_space<semaphore_mem>>
        %dma_start3A_236 = tpu.memref_squeeze %dma_start3A_235 : memref<1x!tpu.dma_semaphore, #tpu.memory_space<semaphore_mem>> -> memref<!tpu.dma_semaphore, #tpu.memory_space<semaphore_mem>>
        tpu.enqueue_indirect_dma source(%dma_start3A_234 : memref<10112x8xf32, #tpu.memory_space<vmem_shared>>) target(%dma_start3A_230 : memref<80x8xf32, #tpu.memory_space<vmem>>) offsets(%dma_start3A_231 : memref<80xi32, #tpu.memory_space<vmem>>) semaphore(%dma_start3A_236 : memref<!tpu.dma_semaphore, #tpu.memory_space<semaphore_mem>>)
      } else {
      }
    }
    %scan3A_79 = arith.constant 25 : i32
    %barrier3A_80 = arith.constant 0 : index
    tpu.barrier barrier_id(%barrier3A_80)
    %mul3A_81 = arith.constant 632 : i32
    %mul3A_82 = arith.muli %arg1, %mul3A_81 : i32
    %mul3A_83 = arith.constant 632 : i32
    %mul3A_84 = arith.muli %arg1, %mul3A_83 : i32
    "tpu.region"() ({
      %run_scoped3A = tpu.sem_alloc : memref<!tpu.dma_semaphore, #tpu.memory_space<semaphore_mem>>
      %dma_start3A_85 = arith.constant 0 : i32
      %dma_start3A_86 = tpu.memref_slice %arg6[%arg0, %mul3A_84, %dma_start3A_85] : memref<2x10112x8xf32, #tpu.memory_space<hbm>> -> memref<1x632x8xf32, #tpu.memory_space<hbm>>
      %dma_start3A_87 = tpu.memref_squeeze %dma_start3A_86 : memref<1x632x8xf32, #tpu.memory_space<hbm>> -> memref<632x8xf32, #tpu.memory_space<hbm>>
      %dma_start3A_88 = arith.constant 0 : i32
      %dma_start3A_89 = tpu.memref_slice %arg10[%mul3A_82, %dma_start3A_88] : memref<10112x8xf32, #tpu.memory_space<vmem_shared>> -> memref<632x8xf32, #tpu.memory_space<vmem_shared>>
      tpu.enqueue_dma source(%dma_start3A_89 : memref<632x8xf32, #tpu.memory_space<vmem_shared>>) target(%dma_start3A_87 : memref<632x8xf32, #tpu.memory_space<hbm>>) target_semaphore(%run_scoped3A : memref<!tpu.dma_semaphore, #tpu.memory_space<semaphore_mem>>)
      %dma_wait3A = arith.constant 0 : i32
      %dma_wait3A_90 = tpu.memref_slice %arg6[%arg0, %mul3A_84, %dma_wait3A] : memref<2x10112x8xf32, #tpu.memory_space<hbm>> -> memref<1x632x8xf32, #tpu.memory_space<hbm>>
      %dma_wait3A_91 = tpu.memref_squeeze %dma_wait3A_90 : memref<1x632x8xf32, #tpu.memory_space<hbm>> -> memref<632x8xf32, #tpu.memory_space<hbm>>
      %dma_wait3A_92 = arith.constant 0 : i32
      %dma_wait3A_93 = tpu.memref_slice %arg10[%mul3A_82, %dma_wait3A_92] : memref<10112x8xf32, #tpu.memory_space<vmem_shared>> -> memref<632x8xf32, #tpu.memory_space<vmem_shared>>
      tpu.wait_dma2 semaphore(%run_scoped3A : memref<!tpu.dma_semaphore, #tpu.memory_space<semaphore_mem>>) src(%dma_wait3A_93 : memref<632x8xf32, #tpu.memory_space<vmem_shared>>) dst(%dma_wait3A_91 : memref<632x8xf32, #tpu.memory_space<hbm>>)
      tpu.yield
    }) : () -> ()
    return
  }
}

module attributes {stable_mosaic.version = 14 : i64} {
  func.func @_tc1_body(%arg0: memref<10000x128xf32, #tpu.memory_space<vmem>>, %arg1: memref<128x4xf32, #tpu.memory_space<vmem>>, %arg2: memref<2x10112x8xf32, #tpu.memory_space<vmem>>, %arg3: memref<10112x8xf32, #tpu.memory_space<vmem>>, %arg4: memref<10000x1xf32, #tpu.memory_space<vmem>>) attributes {dimension_semantics = [], scalar_prefetch = 0 : i64, scratch_operands = 0 : i64, tpu.core_type = #tpu.core_type<tc>} {
    %get3A = arith.constant 0 : index
    %get3A_0 = arith.constant 0 : index
    %get3A_1 = arith.constant 0 : index
    %get3A_2 = vector.load %arg2[%get3A, %get3A_0, %get3A_1] : memref<2x10112x8xf32, #tpu.memory_space<vmem>>, vector<1x10000x1xf32>
    %get3A_3 = vector.shape_cast %get3A_2 : vector<1x10000x1xf32> to vector<10000x1xf32>
    %get3A_4 = arith.constant 1 : index
    %get3A_5 = arith.constant 0 : index
    %get3A_6 = arith.constant 0 : index
    %get3A_7 = vector.load %arg2[%get3A_4, %get3A_5, %get3A_6] : memref<2x10112x8xf32, #tpu.memory_space<vmem>>, vector<1x10000x1xf32>
    %get3A_8 = vector.shape_cast %get3A_7 : vector<1x10000x1xf32> to vector<10000x1xf32>
    %add3A = arith.addf %get3A_3, %get3A_8 : vector<10000x1xf32>
    %add3A_9 = arith.constant 1.000000e+00 : f32
    %add3A_10 = vector.broadcast %add3A_9 : f32 to vector<10000x1xf32>
    %add3A_11 = arith.addf %add3A, %add3A_10 : vector<10000x1xf32>
    %max3A = arith.constant 1.000000e+00 : f32
    %max3A_12 = vector.broadcast %max3A : f32 to vector<10000x1xf32>
    %max3A_13 = arith.maximumf %add3A_11, %max3A_12 : vector<10000x1xf32>
    %rsqrt3A = math.rsqrt %max3A_13 : vector<10000x1xf32>
    %get3A_14 = arith.constant 0 : index
    %get3A_15 = arith.constant 0 : index
    %get3A_16 = vector.load %arg0[%get3A_14, %get3A_15] : memref<10000x128xf32, #tpu.memory_space<vmem>>, vector<10000x128xf32>
    %get3A_17 = arith.constant 0 : index
    %get3A_18 = arith.constant 0 : index
    %get3A_19 = vector.load %arg1[%get3A_17, %get3A_18] : memref<128x4xf32, #tpu.memory_space<vmem>>, vector<128x4xf32>
    %dot_general3A = arith.constant dense<0.000000e+00> : vector<10000x4xf32>
    %dot_general3A_20 = tpu.matmul %get3A_16, %get3A_19, %dot_general3A {dimension_numbers = #tpu.dot_dimension_numbers<[1], [0], [0], [1], [0, 0, 1, 1], [], []>, transpose_lhs_hint = false} : vector<10000x128xf32>, vector<128x4xf32>, vector<10000x4xf32> -> vector<10000x4xf32>
    %mul3A = vector.broadcast %rsqrt3A : vector<10000x1xf32> to vector<10000x4xf32>
    %mul3A_21 = arith.mulf %dot_general3A_20, %mul3A : vector<10000x4xf32>
    %broadcast_in_dim3A = arith.constant 0.000000e+00 : f32
    %broadcast_in_dim3A_22 = vector.broadcast %broadcast_in_dim3A : f32 to vector<10000x4xf32>
    %concatenate3A = tpu.concatenate %mul3A_21, %broadcast_in_dim3A_22 in 1 : vector<10000x4xf32>, vector<10000x4xf32> -> vector<10000x8xf32>
    %broadcast_in_dim3A_23 = arith.constant 0.000000e+00 : f32
    %broadcast_in_dim3A_24 = vector.broadcast %broadcast_in_dim3A_23 : f32 to vector<112x8xf32>
    %concatenate3A_25 = tpu.concatenate %concatenate3A, %broadcast_in_dim3A_24 in 0 : vector<10000x8xf32>, vector<112x8xf32> -> vector<10112x8xf32>
    %swap3A = arith.constant 0 : index
    %swap3A_26 = arith.constant 0 : index
    %swap3A_27 = vector.load %arg3[%swap3A, %swap3A_26] : memref<10112x8xf32, #tpu.memory_space<vmem>>, vector<10112x8xf32>
    tpu.vector_store %arg3[%swap3A, %swap3A_26], %concatenate3A_25 {strides = array<i32>} : memref<10112x8xf32, #tpu.memory_space<vmem>>, vector<10112x8xf32>,
    %swap3A_28 = arith.constant 0 : index
    %swap3A_29 = arith.constant 0 : index
    %swap3A_30 = vector.load %arg4[%swap3A_28, %swap3A_29] : memref<10000x1xf32, #tpu.memory_space<vmem>>, vector<10000x1xf32>
    tpu.vector_store %arg4[%swap3A_28, %swap3A_29], %rsqrt3A {strides = array<i32>} : memref<10000x1xf32, #tpu.memory_space<vmem>>, vector<10000x1xf32>,
    return
  }
}

module attributes {stable_mosaic.version = 14 : i64} {
  func.func @_tc2_body(%arg0: memref<2x10112x8xf32, #tpu.memory_space<vmem>>, %arg1: memref<10112x8xf32, #tpu.memory_space<vmem>>, %arg2: memref<10000x1xf32, #tpu.memory_space<vmem>>, %arg3: memref<4x4xf32, #tpu.memory_space<vmem>>, %arg4: memref<10000x4xf32, #tpu.memory_space<vmem>>, %arg5: memref<10112x8xf32, #tpu.memory_space<vmem>>) attributes {dimension_semantics = [], scalar_prefetch = 0 : i64, scratch_operands = 0 : i64, tpu.core_type = #tpu.core_type<tc>} {
    %get3A = arith.constant 0 : index
    %get3A_0 = arith.constant 0 : index
    %get3A_1 = arith.constant 0 : index
    %get3A_2 = vector.load %arg0[%get3A, %get3A_0, %get3A_1] : memref<2x10112x8xf32, #tpu.memory_space<vmem>>, vector<1x10000x8xf32>
    %get3A_3 = vector.shape_cast %get3A_2 : vector<1x10000x8xf32> to vector<10000x8xf32>
    %get3A_4 = arith.constant 1 : index
    %get3A_5 = arith.constant 0 : index
    %get3A_6 = arith.constant 0 : index
    %get3A_7 = vector.load %arg0[%get3A_4, %get3A_5, %get3A_6] : memref<2x10112x8xf32, #tpu.memory_space<vmem>>, vector<1x10000x8xf32>
    %get3A_8 = vector.shape_cast %get3A_7 : vector<1x10000x8xf32> to vector<10000x8xf32>
    %add3A = arith.addf %get3A_3, %get3A_8 : vector<10000x8xf32>
    %get3A_9 = arith.constant 0 : index
    %get3A_10 = arith.constant 0 : index
    %get3A_11 = vector.load %arg1[%get3A_9, %get3A_10] : memref<10112x8xf32, #tpu.memory_space<vmem>>, vector<10000x8xf32>
    %add3A_12 = arith.addf %add3A, %get3A_11 : vector<10000x8xf32>
    %get3A_13 = arith.constant 0 : index
    %get3A_14 = arith.constant 0 : index
    %get3A_15 = vector.load %arg2[%get3A_13, %get3A_14] : memref<10000x1xf32, #tpu.memory_space<vmem>>, vector<10000x1xf32>
    %mul3A = vector.broadcast %get3A_15 : vector<10000x1xf32> to vector<10000x8xf32>
    %mul3A_16 = arith.mulf %add3A_12, %mul3A : vector<10000x8xf32>
    %tanh3A = math.tanh %mul3A_16 : vector<10000x8xf32>
    %slice3A = vector.extract_strided_slice %tanh3A {offsets = [0, 0], sizes = [10000, 4], strides = [1, 1]} : vector<10000x8xf32> to vector<10000x4xf32>
    %swap3A = arith.constant 0 : index
    %swap3A_17 = arith.constant 0 : index
    %swap3A_18 = vector.load %arg4[%swap3A, %swap3A_17] : memref<10000x4xf32, #tpu.memory_space<vmem>>, vector<10000x4xf32>
    tpu.vector_store %arg4[%swap3A, %swap3A_17], %slice3A {strides = array<i32>} : memref<10000x4xf32, #tpu.memory_space<vmem>>, vector<10000x4xf32>,
    %get3A_19 = arith.constant 0 : index
    %get3A_20 = arith.constant 0 : index
    %get3A_21 = vector.load %arg3[%get3A_19, %get3A_20] : memref<4x4xf32, #tpu.memory_space<vmem>>, vector<4x4xf32>
    %dot_general3A = arith.constant dense<0.000000e+00> : vector<10000x4xf32>
    %dot_general3A_22 = tpu.matmul %slice3A, %get3A_21, %dot_general3A {dimension_numbers = #tpu.dot_dimension_numbers<[1], [0], [0], [1], [0, 0, 1, 1], [], []>, transpose_lhs_hint = false} : vector<10000x4xf32>, vector<4x4xf32>, vector<10000x4xf32> -> vector<10000x4xf32>
    %get3A_23 = arith.constant 0 : index
    %get3A_24 = arith.constant 0 : index
    %get3A_25 = vector.load %arg2[%get3A_23, %get3A_24] : memref<10000x1xf32, #tpu.memory_space<vmem>>, vector<10000x1xf32>
    %mul3A_26 = vector.broadcast %get3A_25 : vector<10000x1xf32> to vector<10000x4xf32>
    %mul3A_27 = arith.mulf %dot_general3A_22, %mul3A_26 : vector<10000x4xf32>
    %broadcast_in_dim3A = arith.constant 0.000000e+00 : f32
    %broadcast_in_dim3A_28 = vector.broadcast %broadcast_in_dim3A : f32 to vector<10000x4xf32>
    %concatenate3A = tpu.concatenate %mul3A_27, %broadcast_in_dim3A_28 in 1 : vector<10000x4xf32>, vector<10000x4xf32> -> vector<10000x8xf32>
    %broadcast_in_dim3A_29 = arith.constant 0.000000e+00 : f32
    %broadcast_in_dim3A_30 = vector.broadcast %broadcast_in_dim3A_29 : f32 to vector<112x8xf32>
    %concatenate3A_31 = tpu.concatenate %concatenate3A, %broadcast_in_dim3A_30 in 0 : vector<10000x8xf32>, vector<112x8xf32> -> vector<10112x8xf32>
    %swap3A_32 = arith.constant 0 : index
    %swap3A_33 = arith.constant 0 : index
    %swap3A_34 = vector.load %arg5[%swap3A_32, %swap3A_33] : memref<10112x8xf32, #tpu.memory_space<vmem>>, vector<10112x8xf32>
    tpu.vector_store %arg5[%swap3A_32, %swap3A_33], %concatenate3A_31 {strides = array<i32>} : memref<10112x8xf32, #tpu.memory_space<vmem>>, vector<10112x8xf32>,
    return
  }
}

module attributes {stable_mosaic.version = 14 : i64} {
  func.func @_tc3_body(%arg0: memref<2x10112x8xf32, #tpu.memory_space<vmem>>, %arg1: memref<10112x8xf32, #tpu.memory_space<vmem>>, %arg2: memref<10000x1xf32, #tpu.memory_space<vmem>>, %arg3: memref<10000x4xf32, #tpu.memory_space<vmem>>) attributes {dimension_semantics = [], scalar_prefetch = 0 : i64, scratch_operands = 0 : i64, tpu.core_type = #tpu.core_type<tc>} {
    %get3A = arith.constant 0 : index
    %get3A_0 = arith.constant 0 : index
    %get3A_1 = arith.constant 0 : index
    %get3A_2 = vector.load %arg0[%get3A, %get3A_0, %get3A_1] : memref<2x10112x8xf32, #tpu.memory_space<vmem>>, vector<1x10000x8xf32>
    %get3A_3 = vector.shape_cast %get3A_2 : vector<1x10000x8xf32> to vector<10000x8xf32>
    %get3A_4 = arith.constant 1 : index
    %get3A_5 = arith.constant 0 : index
    %get3A_6 = arith.constant 0 : index
    %get3A_7 = vector.load %arg0[%get3A_4, %get3A_5, %get3A_6] : memref<2x10112x8xf32, #tpu.memory_space<vmem>>, vector<1x10000x8xf32>
    %get3A_8 = vector.shape_cast %get3A_7 : vector<1x10000x8xf32> to vector<10000x8xf32>
    %add3A = arith.addf %get3A_3, %get3A_8 : vector<10000x8xf32>
    %get3A_9 = arith.constant 0 : index
    %get3A_10 = arith.constant 0 : index
    %get3A_11 = vector.load %arg1[%get3A_9, %get3A_10] : memref<10112x8xf32, #tpu.memory_space<vmem>>, vector<10000x8xf32>
    %add3A_12 = arith.addf %add3A, %get3A_11 : vector<10000x8xf32>
    %slice3A = vector.extract_strided_slice %add3A_12 {offsets = [0, 0], sizes = [10000, 4], strides = [1, 1]} : vector<10000x8xf32> to vector<10000x4xf32>
    %get3A_13 = arith.constant 0 : index
    %get3A_14 = arith.constant 0 : index
    %get3A_15 = vector.load %arg2[%get3A_13, %get3A_14] : memref<10000x1xf32, #tpu.memory_space<vmem>>, vector<10000x1xf32>
    %mul3A = vector.broadcast %get3A_15 : vector<10000x1xf32> to vector<10000x4xf32>
    %mul3A_16 = arith.mulf %slice3A, %mul3A : vector<10000x4xf32>
    %swap3A = arith.constant 0 : index
    %swap3A_17 = arith.constant 0 : index
    %swap3A_18 = vector.load %arg3[%swap3A, %swap3A_17] : memref<10000x4xf32, #tpu.memory_space<vmem>>, vector<10000x4xf32>
    tpu.vector_store %arg3[%swap3A, %swap3A_17], %mul3A_16 {strides = array<i32>} : memref<10000x4xf32, #tpu.memory_space<vmem>>, vector<10000x4xf32>,
    return
  }
}

</mosaic_0001>

<sc_bundles>
// kernel: kernel.11.cloned.1.call-start
scs
__scs_entry_jumppad:
0x0: {  	(pc) =	sbr.rel $0x88, $3  }
0x1: {  	(tag) =	ssettag $0x0;
	lr =	simm.s32 $0x1  }
0x2: {  	[smem:$0x3F9D] =	sst lr;
	_ =	strace $0xD0000000  }
0x3: {  	_ = 	snop  }
0x4: {  	_ = 	snop  }
0x5: {  	_ = 	snop  }
0x6: {  	_ = 	snop  }
0x7: {  	_ = 	snop  }
__scs_overlays_trampoline_lowered:
0x8: {  	[smem:$0x3FAC] =	sst s0  }
0x9: {  	[smem:$0x3FAD] =	sst s1  }
0xa: {  	[smem:$0x3FAE] =	sst s2  }
0xb: {  	[smem:$0x3FAF] =	sst s3  }
0xc: {  	[smem:$0x3FB0] =	sst s4  }
0xd: {  	[smem:$0x3FB1] =	sst s5  }
0xe: {  	[smem:$0x3FB2] =	sst s6  }
0xf: {  	[smem:$0x3FB3] =	sst s7  }
0x10: {  	[smem:$0x3FB4] =	sst s8  }
0x11: {  	[smem:$0x3FB5] =	sst s9;
	s0 =	simm.s32 @!p0 $0x0  }
0x12: {  	s1 =	sld [smem:$0x3F9B];
	s0 =	simm.s32 @p0 $0x1  }
0x13: {  	[smem:$0x3FB6] =	sst s0;
	s0 =	simm.s32 @!p1 $0x0  }
0x14: {  	s2 =	sld [smem:$0x3F9A];
	s0 =	simm.s32 @p1 $0x1  }
0x15: {  	[smem:$0x3FB7] =	sst s0;
	s0 =	simm.s32 @!p2 $0x0  }
0x16: {  	s3 =	sld [smem:$0x3FDB];
	s0 =	simm.s32 @p2 $0x1  }
0x17: {  	s4 =	simm.s32 $0x1BF5;
	[smem:$0x3FB9] =	sst s0  }
0x18: {  	s0 =	sld [smem:$0x3F9C];
	_ =	swait.ge [sflag:s4], $0x0  }
0x19: {  	s7 =	sld [smem:$0x3F9D]  }
0x1a: {  	s8 =	sadd.s32 $0xFFFFE003, lr  }
0x1b: {  	s9 =	sadd.s32 $0xFFFFFEF7, lr;
	s5 =	simm.s32 $0xFFFFFFFF;
	p2 =	slt.u32 s8, $0xFFFFF086  }
0x1c: {  	p1 =	slt.u32 s9, $0xF7A;
	s5 =	simm.s32 @!p2 $0x0  }
0x1d: {  	s5 =	simm.s32 @p1 $0x1;
	p0 =	seq.s32 s7, s2  }
0x1e: {  	s7 =	smul.u32 @!p0 $0xF7A, s2;
	p2 =	seq.s32 @!p0 s5, $0x0  }
0x1f: {  	s9 =	smul.u32 $0xF7A, s1;
	s8 =	simm.s32 @!p0 $0x1BF5;
	p2 =	por !p2, p0  }
0x20: {  	[sflag:s8] =	ssyncset.s32 @!p0 $0xFFFFF086;
	s6 =	sadd.s32 @!p0 s3, s7;
	s7 =	simm.s32 @!p0 $0x108  }
0x21: {  	s3 =	sadd.s32 s3, s9;
	s6 =	sadd.s32 @!p0 $0x88, s6;
	s7 =	simm.s32 @p2 $0x1082  }
0x22: {  	[simem:s7], [sflag:s8] =	dma.local @!p0 [hbm:s6], $0xF7A  }
0x23: {  	s9 =	sor.u32 $0xD0000000, s2;
	s6 =	simm.s32 $0x108;
	_ =	swait.ge @!p0 [sflag:s8], $0x0  }
0x24: {  	s3 =	sadd.s32 $0x88, s3;
	s6 =	simm.s32 @!p1 $0x1082;
	[sflag:s4] =	ssyncset.s32 $0xFFFFF086  }
0x25: {  	[simem:s6], [sflag:s4] =	dma.local [hbm:s3], $0xF7A  }
0x26: {  	[smem:$0x3F9D] =	sst s1;
	(tag) =	ssettag s2;
	_ =	strace s9  }
0x27: {  	s1 =	sld [smem:$0x3FAD]  }
0x28: {  	s2 =	sld [smem:$0x3FAE]  }
0x29: {  	s4 =	sld [smem:$0x3FB0]  }
0x2a: {  	p0 =	seq.s32 s5, $0x0;
	s5 =	sld [smem:$0x3FB1]  }
0x2b: {  	s6 =	sld [smem:$0x3FB2]  }
0x2c: {  	s7 =	sld [smem:$0x3FB3]  }
0x2d: {  	s3 =	simm.s32 $0x108;
	s8 =	sld [smem:$0x3FB4]  }
0x2e: {  	s3 =	simm.s32 @!p0 $0x1082;
	s9 =	sld [smem:$0x3FB5]  }
0x2f: {  	lr =	sadd.s32 s0, s3;
	s0 =	sld [smem:$0x3FAC]  }
0x30: {  	s3 =	sld [smem:$0x3FAF]  }
0x31: {  	[smem:$0x3FB8] =	sst s10  }
0x32: {  	s10 =	sld [smem:$0x3FB6];
	_ =	sdelay $0x3  }
0x33: {  	p0 =	seq.s32 s10, $0x1;
	s10 =	sld [smem:$0x3FB8];
	_ =	sdelay $0x3  }
0x34: {  	[smem:$0x3FB8] =	sst s10  }
0x35: {  	s10 =	sld [smem:$0x3FB7];
	_ =	sdelay $0x3  }
0x36: {  	p1 =	seq.s32 s10, $0x1;
	s10 =	sld [smem:$0x3FB8];
	_ =	sdelay $0x3  }
0x37: {  	[smem:$0x3FB8] =	sst s10  }
0x38: {  	s10 =	sld [smem:$0x3FB9]  }
0x39: {  	_ = 	snop;
	(pc) =	sbr.ind lr, $3  }
0x3a: {  	_ = 	snop  }
0x3b: {  	_ = 	snop  }
0x3c: {  	p2 =	seq.s32 s10, $0x1;
	s10 =	sld [smem:$0x3FB8]  }
0x3d: {  	_ =	shalt  }
0x3e: {  	_ =	shalt  }
0x3f: {  	_ =	shalt  }
0x40: {  	_ =	shalt  }
0x41: {  	_ =	shalt  }
0x42: {  	_ =	shalt  }
0x43: {  	_ =	shalt  }
0x44: {  	_ =	shalt  }
0x45: {  	_ =	shalt  }
0x46: {  	_ =	shalt  }
0x47: {  	_ =	shalt  }
0x48: {  	_ =	shalt  }
0x49: {  	_ =	shalt  }
0x4a: {  	_ =	shalt  }
0x4b: {  	_ =	shalt  }
0x4c: {  	_ =	shalt  }
0x4d: {  	_ =	shalt  }
0x4e: {  	_ =	shalt  }
0x4f: {  	_ =	shalt  }
0x50: {  	_ =	shalt  }
0x51: {  	_ =	shalt  }
0x52: {  	_ =	shalt  }
0x53: {  	_ =	shalt  }
0x54: {  	_ =	shalt  }
0x55: {  	_ =	shalt  }
0x56: {  	_ =	shalt  }
0x57: {  	_ =	shalt  }
0x58: {  	_ =	shalt  }
0x59: {  	_ =	shalt  }
0x5a: {  	_ =	shalt  }
0x5b: {  	_ =	shalt  }
0x5c: {  	_ =	shalt  }
0x5d: {  	_ =	shalt  }
0x5e: {  	_ =	shalt  }
0x5f: {  	_ =	shalt  }
0x60: {  	_ =	shalt  }
0x61: {  	_ =	shalt  }
0x62: {  	_ =	shalt  }
0x63: {  	_ =	shalt  }
0x64: {  	_ =	shalt  }
0x65: {  	_ =	shalt  }
0x66: {  	_ =	shalt  }
0x67: {  	_ =	shalt  }
0x68: {  	_ =	shalt  }
0x69: {  	_ =	shalt  }
0x6a: {  	_ =	shalt  }
0x6b: {  	_ =	shalt  }
0x6c: {  	_ =	shalt  }
0x6d: {  	_ =	shalt  }
0x6e: {  	_ =	shalt  }
0x6f: {  	_ =	shalt  }
0x70: {  	_ =	shalt  }
0x71: {  	_ =	shalt  }
0x72: {  	_ =	shalt  }
0x73: {  	_ =	shalt  }
0x74: {  	_ =	shalt  }
0x75: {  	_ =	shalt  }
0x76: {  	_ =	shalt  }
0x77: {  	_ =	shalt  }
0x78: {  	_ =	shalt  }
0x79: {  	_ =	shalt  }
0x7a: {  	_ =	shalt  }
0x7b: {  	_ =	shalt  }
0x7c: {  	_ =	shalt  }
0x7d: {  	_ =	shalt  }
0x7e: {  	_ =	shalt  }
0x7f: {  	_ =	shalt  }
0x80: {  	_ =	shalt  }
0x81: {  	_ =	shalt  }
0x82: {  	_ =	shalt  }
0x83: {  	_ =	shalt  }
0x84: {  	_ =	shalt  }
0x85: {  	_ =	shalt  }
0x86: {  	_ =	shalt  }
0x87: {  	_ =	shalt  }
.Lfunc_end0:
.L_simem_size_0:
called_computation.1_lowered:
.L_overlay_start_0:
0x88: {  	s2 =	sld [smem:$0x3FD9]  }
0x89: {  	s3 =	sld [smem:$0x3FFE];
	_ =	sdelay $0x1  }
0x8a: {  	s1 =	srdreg.scid  }
0x8b: {  	s0 =	sand.u32 $0x1, s1  }
0x8c: {  	s16 =	sshll.u32 s0, $0xA;
	s2 =	sadd.s32 s3, s2  }
0x8d: {  	s2 =	sadd.s32 s2, s16  }
0x8e: {  	[smem:$0x3FC4] =	sst s2  }
0x8f: {  	_ = 	snop  }
0x90: {  	(tm) =	ssettm $0x1  }
0x91: {  	s17 =	sld [smem:$0x3FFB];
	_ =	sdelay $0x3  }
0x92: {  	_ =	strace s17  }
0x93: {  	s2 =	sld [smem:$0x3FFC];
	_ =	sdelay $0x3  }
0x94: {  	_ =	strace s2  }
0x95: {  	s2 =	sld [smem:$0x3FFD];
	_ =	sdelay $0x3  }
0x96: {  	_ =	strace s2  }
0x97: {  	_ =	strace $0x8FFFFFFF  }
0x98: {  	s18 =	sld [smem:$0x3FDB];
	_ =	sdelay $0x1  }
0x99: {  	s19 =	simm.s32 $_scs_section_size  }
0x9a: {  	s4 =	simm.s32 $_size__tile_overlayer_lowered;
	s5 =	simm.s32 $_tile_overlayer_lowered  }
0x9b: {  	s22 =	simm.s32 $0x1BFF;
	s21 =	sshll.u32 s5, $0x1;
	s2 =	sadd.s32 s19, s18  }
0x9c: {  	s6 =	simm.s32 $0x0;
	s20 =	sshll.u32 s4, $0x1;
	s4 =	sadd.s32 s21, s2  }
0x9d: {  	[timem:s6], [sflag:s22] =	dma.local [hbm:s4], s20  }
0x9e: {  	_ =	swait.ge [sflag:s22], s20  }
0x9f: {  	s3 =	ssub.s32 $0x0, s20;
	[sflag:s22] =	ssyncset.done $0x0  }
0xa0: {  	[sflag:s22] =	ssyncadd.s32 s3;
	_ =	sdelay $0x1  }
0xa1: {  	s23 =	simm.s32 $0x1B8B  }
0xa2: {  	_ =	swait.ge [sflag:s23], $0x1  }
0xa3: {  	[sflag:s23] =	ssyncset.done $0x0  }
0xa4: {  	s25 =	simm.s32 $0x1B8E;
	s24 =	sld [smem:$0x3FFE];
	[sflag:s23] =	ssyncadd.s32 $0xFFFFFFFF  }
0xa5: {  	s26 =	simm.s32 $execute0_lowered;
	[smem:$0x3FD2] =	sst s25  }
0xa6: {  	s4 =	sshll.u32 s26, $0x1;
	_ =	strace $0x80000049;
	[dreg:$0x1] =	wrdreg $0xFFFFFFFF  }
0xa7: {  	s28 =	simm.s32 $_size_execute0_lowered;
	s2 =	sadd.s32 s2, s4;
	[dreg:$0x0] =	wrdreg $0x0  }
0xa8: {  	s4 =	sshll.u32 s28, $0x1;
	[dreg:$0x2] =	wrdreg s2  }
0xa9: {  	[dreg:$0x3] =	wrdreg s4  }
0xaa: {  	[dreg:$0x4] =	wrdreg $0xC0  }
0xab: {  	_ =	task [dreg:s6], $0x5FFFF  }
0xac: {  	[dreg:$0x1] =	wrdreg $0xFFFFFFFF  }
0xad: {  	[dreg:$0x0] =	wrdreg $0x60  }
0xae: {  	[dreg:$0x2] =	wrdreg s24  }
0xaf: {  	[dreg:$0x3] =	wrdreg $0x6E600  }
0xb0: {  	[dreg:$0x4] =	wrdreg $0x5AA00  }
0xb1: {  	[dreg:$0x5] =	wrdreg $0x9  }
0xb2: {  	_ =	task.clear_ibuf [dreg:s6], $0x6FFFF;
	_ =	strace $0x90000049  }
0xb3: {  	s29 =	simm.s32 $0x9;
	_ =	strace $0x8000004B  }
0xb4: {  	_ =	swait.ge [sflag:s29], $0x1  }
0xb5: {  	[sflag:s29] =	ssyncadd.s32 $0xFFFFFFFF  }
0xb6: {  	_ =	strace $0x9000004B  }
0xb7: {  	_ =	sfence  }
0xb8: {  	s30 =	sld [smem:$0x0];
	_ =	sdelay $0x2  }
0xb9: {  	s31 =	sshll.u32 s1, $0xD;
	s1 =	sshrl.u32 s1, $0x2  }
0xba: {  	s3 =	sand.u32 $0x4000, s31;
	s1 =	sadd.s32 s1, s30  }
0xbb: {  	s0 =	sor.u32 s3, s0;
	s1 =	sshll.u32 s1, $0x11  }
0xbc: {  	s0 =	sor.u32 s1, s0  }
0xbd: {  	s0 =	sadd.s32 $0x8F2B, s0  }
0xbe: {  	[sflag:s0] =	ssyncadd.remote.s32 $0x1  }
0xbf: {  	_ =	sfence.sel $0xFFFF  }
0xc0: {  	[dreg:$0x0] =	wrdreg $0xFFFFFFFF;
	(pc) =	sbr.abs _section_cstart, $3  }
0xc1: {  	[dreg:$0x1] =	wrdreg $0xFFFFFFFF  }
0xc2: {  	_ =	task.clear_ibuf [dreg:s6], $0x2FFFF;
	_ =	strace $0x9FFFFFFF  }
0xc3: {  	(tm) =	ssettm $0x7FFFFFFF  }
tec
execute0_lowered:
.L_overlay_start_1:
0x0: {  	(tag) =	ssettag $0x1  }
0x1: {  	s0 =	srdreg.scid;
	s5 =	rddreg [dreg:$0x0]  }
0x2: {  	s11 =	stileid.u32;
	s1 =	rddreg [dreg:$0x1]  }
0x3: {  	s15 =	simm.s32 $0x50;
	s16 =	simm.s32 $0x4E20;
	s17 =	simm.s32 $0x50A0  }
0x4: {  	s19 =	simm.s32 $0x5320;
	s21 =	simm.s32 $0x55A0;
	s23 =	simm.s32 $0x5820  }
0x5: {  	s24 =	simm.s32 $0x1;
	s28 =	simm.s32 $0x3;
	s29 =	simm.s32 $0x4  }
0x6: {  	s30 =	simm.s32 $0x5;
	s20 =	simm.s32 $0x4DD0;
	s22 =	simm.s32 $0x0  }
0x7: {  	s0 =	sand.u32 $0x1, s0;
	s9 =	smul.u32 $0x13C0, s11;
	p0 =	sne.s32 s11, $0x0  }
0x8: {  	s31 =	sshll.u32 s11, $0x6;
	s2 =	sshll.u32 s0, $0x4;
	s6 =	smul.u32 $0x13C00, s0  }
0x9: {  	s0 =	ssub.s32 $0x2, s0;
	s12 =	sor.u32 $0x1C06, s31;
	s3 =	sor.u32 s11, s2  }
0xa: {  	s2 =	rddreg [dreg:$0x2];
	s25 =	sshrl.u32 s9, $0x3;
	s26 =	sshrl.u32 s0, $0x1  }
0xb: {  	s13 =	sadd.s32 s9, s1;
	s4 =	smul.u32 $0x4E2, s3;
	s3 =	simm.s32 $0x0  }
0xc: {  	s6 =	sadd.s32 s9, s6;
	s8 =	sadd.s32 s25, s5;
	s0 =	ssub.s32 s0, s26  }
0xd: {  	s18 =	sadd.s32 s9, s2;
	s13 =	sshrl.u32 s13, $0x3;
	s14 =	sshrl.u32 @!p0 s2, $0x3  }
0xe: {  	s26 =	simm.s32 $0x2;
	[smem:$0x7FF] =	sst s3;
	s6 =	sshrl.u32 s6, $0x3  }
0xf: {  	s9 =	smax.u32 s0, $0x1;
	s25 =	sshrl.u32 s18, $0x3;
	s18 =	simm.s32 $0x4D80  }
0x10: {  	_ =	strace $0x8000004A;
	s7 =	sadd.s32 s4, s5;
	s4 =	sadd.s32 $0x15000, s5  }
0x11: {  	s10 =	sadd.s32 s6, s5;
	s5 =	sadd.s32 $0xB200, s7;
	s6 =	sadd.s32 $0x1400, s7  }
0x12: {  	s7 =	sadd.s32 $0x17800, s8;
	s8 =	sadd.s32 $0x1A000, s10;
	s10 =	simm.s32 $0x6  }
.LBB2_1:
0x13: {  	[tilespmem:s3], [sflag:$0x6] =	stream.linear.gather [hbm4b:s5+s3], $0x2710, $0x38;
	[tilespmem:$0x8220] =	vst v63  }
0x14: {  	_ =	swait.ge [sflag:s10], $0x2710  }
0x15: {  	[sflag:s10] =	ssyncset.done $0x0  }
0x16: {  	s0 =	simm.s32 $0x2710;
	[sflag:s10] =	ssyncadd.s32 $0xFFFFD8F0  }
0x17: {  	[tilespmem:s0], [sflag:$0x6] =	stream.linear.gather [hbm4b:s6+s3], $0x2710, $0x38;
	[tilespmem:$0x8220] =	vst v63  }
0x18: {  	_ =	swait.ge [sflag:s10], $0x2710  }
0x19: {  	[sflag:s10] =	ssyncset.done $0x0  }
0x1a: {  	[sflag:s10] =	ssyncadd.s32 $0xFFFFD8F0  }
0x1b: {  	[spmem:s13], [sflag:s12] =	dma.local [hbm:s7], $0x278  }
0x1c: {  	_ =	swait.ge [sflag:s10], $0x278  }
0x1d: {  	[sflag:s10] =	ssyncset.done $0x0  }
0x1e: {  	s0 =	simm.s32 @!p0 $0x6;
	[sflag:s10] =	ssyncadd.s32 $0xFFFFFD88  }
0x1f: {  	[spmem:s14], [sflag:s12] =	dma.local @!p0 [hbm:s4], $0x2780  }
0x20: {  	_ =	swait.ge @!p0 [sflag:s0], $0x2780  }
0x21: {  	[sflag:s0] =	ssyncset.done @!p0 $0x0  }
0x22: {  	[sflag:s0] =	ssyncadd.s32 @!p0 $0xFFFFD880  }
0x23: {  	[bflag:$0x0] =	sbarrier.arrive $0xFFFF  }
0x24: {  	[tilespmem:s16], [sflag:$0x1] =	stream.indirect.gather [spmem:s1], $0x8, s3, s15, $0xb8;
	[tilespmem:$0x8220] =	vst v63  }
0x25: {  	_ = 	snop  }
0x26: {  	[tilespmem:s17], [sflag:$0x2] =	stream.indirect.gather [spmem:s1], $0x8, s15, s15, $0xb8;
	[tilespmem:$0x8220] =	vst v63  }
0x27: {  	s11 =	simm.s32 $0xA0  }
0x28: {  	[tilespmem:s19], [sflag:$0x3] =	stream.indirect.gather [spmem:s1], $0x8, s11, s15, $0xb8;
	[tilespmem:$0x8220] =	vst v63  }
0x29: {  	s11 =	simm.s32 $0xF0  }
0x2a: {  	[tilespmem:s21], [sflag:$0x4] =	stream.indirect.gather [spmem:s1], $0x8, s11, s15, $0xb8;
	[tilespmem:$0x8220] =	vst v63  }
0x2b: {  	s11 =	simm.s32 $0x140  }
0x2c: {  	[tilespmem:s23], [sflag:$0x5] =	stream.indirect.gather [spmem:s1], $0x8, s11, s15, $0xb8;
	[tilespmem:$0x8220] =	vst v63  }
0x2d: {  	_ =	swait.ge [sflag:s24], $0x280  }
0x2e: {  	[sflag:s24] =	ssyncset.done $0x0  }
0x2f: {  	s11 =	simm.s32 $0x2710;
	[sflag:s24] =	ssyncadd.s32 $0xFFFFFD80  }
0x30: {  	[spmem:s2] =	stream.indirect.scatter.add.f32 [tilespmem:s16], [sflag:$0x6], $0x8, s11, s15, $0xb8;
	[tilespmem:$0x8220] =	vst v63  }
0x31: {  	_ =	swait.ge [sflag:s10], $0x280  }
0x32: {  	[sflag:s10] =	ssyncset.done $0x0  }
0x33: {  	s11 =	simm.s32 $0x190;
	[sflag:s10] =	ssyncadd.s32 $0xFFFFFD80  }
0x34: {  	[tilespmem:s16], [sflag:$0x1] =	stream.indirect.gather [spmem:s1], $0x8, s11, s15, $0xb8;
	[tilespmem:$0x8220] =	vst v63  }
0x35: {  	_ =	swait.ge [sflag:s26], $0x280  }
0x36: {  	[sflag:s26] =	ssyncset.done $0x0  }
0x37: {  	s11 =	simm.s32 $0x2760;
	[sflag:s26] =	ssyncadd.s32 $0xFFFFFD80  }
0x38: {  	[spmem:s2] =	stream.indirect.scatter.add.f32 [tilespmem:s17], [sflag:$0x6], $0x8, s11, s15, $0xb8;
	[tilespmem:$0x8220] =	vst v63  }
0x39: {  	_ =	swait.ge [sflag:s10], $0x280  }
0x3a: {  	[sflag:s10] =	ssyncset.done $0x0  }
0x3b: {  	s11 =	simm.s32 $0x1E0;
	[sflag:s10] =	ssyncadd.s32 $0xFFFFFD80  }
0x3c: {  	[tilespmem:s17], [sflag:$0x2] =	stream.indirect.gather [spmem:s1], $0x8, s11, s15, $0xb8;
	[tilespmem:$0x8220] =	vst v63  }
0x3d: {  	_ =	swait.ge [sflag:s28], $0x280  }
0x3e: {  	[sflag:s28] =	ssyncset.done $0x0  }
0x3f: {  	s11 =	simm.s32 $0x27B0;
	[sflag:s28] =	ssyncadd.s32 $0xFFFFFD80  }
0x40: {  	[spmem:s2] =	stream.indirect.scatter.add.f32 [tilespmem:s19], [sflag:$0x6], $0x8, s11, s15, $0xb8;
	[tilespmem:$0x8220] =	vst v63  }
0x41: {  	_ =	swait.ge [sflag:s10], $0x280  }
0x42: {  	[sflag:s10] =	ssyncset.done $0x0  }
0x43: {  	s11 =	simm.s32 $0x230;
	[sflag:s10] =	ssyncadd.s32 $0xFFFFFD80  }
0x44: {  	[tilespmem:s19], [sflag:$0x3] =	stream.indirect.gather [spmem:s1], $0x8, s11, s15, $0xb8;
	[tilespmem:$0x8220] =	vst v63  }
0x45: {  	_ =	swait.ge [sflag:s29], $0x280  }
0x46: {  	[sflag:s29] =	ssyncset.done $0x0  }
0x47: {  	s11 =	simm.s32 $0x2800;
	[sflag:s29] =	ssyncadd.s32 $0xFFFFFD80  }
0x48: {  	[spmem:s2] =	stream.indirect.scatter.add.f32 [tilespmem:s21], [sflag:$0x6], $0x8, s11, s15, $0xb8;
	[tilespmem:$0x8220] =	vst v63  }
0x49: {  	_ =	swait.ge [sflag:s10], $0x280  }
0x4a: {  	[sflag:s10] =	ssyncset.done $0x0  }
0x4b: {  	s11 =	simm.s32 $0x280;
	[sflag:s10] =	ssyncadd.s32 $0xFFFFFD80  }
0x4c: {  	[tilespmem:s21], [sflag:$0x4] =	stream.indirect.gather [spmem:s1], $0x8, s11, s15, $0xb8;
	[tilespmem:$0x8220] =	vst v63  }
0x4d: {  	_ =	swait.ge [sflag:s30], $0x280  }
0x4e: {  	[sflag:s30] =	ssyncset.done $0x0  }
0x4f: {  	s11 =	simm.s32 $0x2850;
	[sflag:s30] =	ssyncadd.s32 $0xFFFFFD80  }
0x50: {  	[spmem:s2] =	stream.indirect.scatter.add.f32 [tilespmem:s23], [sflag:$0x6], $0x8, s11, s15, $0xb8;
	[tilespmem:$0x8220] =	vst v63  }
0x51: {  	_ =	swait.ge [sflag:s10], $0x280  }
0x52: {  	[sflag:s10] =	ssyncset.done $0x0  }
0x53: {  	s31 =	simm.s32 $0x640;
	s0 =	simm.s32 $0x2D0;
	[sflag:s10] =	ssyncadd.s32 $0xFFFFFD80  }
.LBB2_2:
0x54: {  	[tilespmem:s23], [sflag:$0x5] =	stream.indirect.gather [spmem:s1], $0x8, s0, s15, $0xb8;
	[tilespmem:$0x8220] =	vst v63  }
0x55: {  	s0 =	smov.u32 s31  }
0x56: {  	p1 =	sne.s32 s31, $0x8FC0;
	s31 =	sadd.s32 $0x640, s31;
	_ =	swait.ge [sflag:s24], $0x280  }
0x57: {  	s0 =	sshra.s32 s0, $0x2;
	[sflag:s24] =	ssyncset.done $0x0  }
0x58: {  	s11 =	sadd.s32 $0x2710, s0;
	[sflag:s24] =	ssyncadd.s32 $0xFFFFFD80  }
0x59: {  	[spmem:s2] =	stream.indirect.scatter.add.f32 [tilespmem:s16], [sflag:$0x6], $0x8, s11, s15, $0xb8;
	[tilespmem:$0x8220] =	vst v63  }
0x5a: {  	_ =	swait.ge [sflag:s10], $0x280  }
0x5b: {  	[sflag:s10] =	ssyncset.done $0x0  }
0x5c: {  	s11 =	sadd.s32 $0x190, s0;
	[sflag:s10] =	ssyncadd.s32 $0xFFFFFD80  }
0x5d: {  	[tilespmem:s16], [sflag:$0x1] =	stream.indirect.gather [spmem:s1], $0x8, s11, s15, $0xb8;
	[tilespmem:$0x8220] =	vst v63  }
0x5e: {  	_ =	swait.ge [sflag:s26], $0x280  }
0x5f: {  	[sflag:s26] =	ssyncset.done $0x0  }
0x60: {  	s11 =	sadd.s32 $0x2760, s0;
	[sflag:s26] =	ssyncadd.s32 $0xFFFFFD80  }
0x61: {  	[spmem:s2] =	stream.indirect.scatter.add.f32 [tilespmem:s17], [sflag:$0x6], $0x8, s11, s15, $0xb8;
	[tilespmem:$0x8220] =	vst v63  }
0x62: {  	_ =	swait.ge [sflag:s10], $0x280  }
0x63: {  	[sflag:s10] =	ssyncset.done $0x0  }
0x64: {  	s11 =	sadd.s32 $0x1E0, s0;
	[sflag:s10] =	ssyncadd.s32 $0xFFFFFD80  }
0x65: {  	[tilespmem:s17], [sflag:$0x2] =	stream.indirect.gather [spmem:s1], $0x8, s11, s15, $0xb8;
	[tilespmem:$0x8220] =	vst v63  }
0x66: {  	_ =	swait.ge [sflag:s28], $0x280  }
0x67: {  	[sflag:s28] =	ssyncset.done $0x0  }
0x68: {  	s11 =	sadd.s32 $0x27B0, s0;
	[sflag:s28] =	ssyncadd.s32 $0xFFFFFD80  }
0x69: {  	[spmem:s2] =	stream.indirect.scatter.add.f32 [tilespmem:s19], [sflag:$0x6], $0x8, s11, s15, $0xb8;
	[tilespmem:$0x8220] =	vst v63  }
0x6a: {  	_ =	swait.ge [sflag:s10], $0x280  }
0x6b: {  	[sflag:s10] =	ssyncset.done $0x0  }
0x6c: {  	s11 =	sadd.s32 $0x230, s0;
	[sflag:s10] =	ssyncadd.s32 $0xFFFFFD80  }
0x6d: {  	[tilespmem:s19], [sflag:$0x3] =	stream.indirect.gather [spmem:s1], $0x8, s11, s15, $0xb8;
	[tilespmem:$0x8220] =	vst v63  }
0x6e: {  	_ =	swait.ge [sflag:s29], $0x280  }
0x6f: {  	[sflag:s29] =	ssyncset.done $0x0  }
0x70: {  	s11 =	sadd.s32 $0x2800, s0;
	[sflag:s29] =	ssyncadd.s32 $0xFFFFFD80  }
0x71: {  	[spmem:s2] =	stream.indirect.scatter.add.f32 [tilespmem:s21], [sflag:$0x6], $0x8, s11, s15, $0xb8;
	[tilespmem:$0x8220] =	vst v63  }
0x72: {  	_ =	swait.ge [sflag:s10], $0x280  }
0x73: {  	[sflag:s10] =	ssyncset.done $0x0  }
0x74: {  	s11 =	sadd.s32 $0x280, s0;
	[sflag:s10] =	ssyncadd.s32 $0xFFFFFD80  }
0x75: {  	[tilespmem:s21], [sflag:$0x4] =	stream.indirect.gather [spmem:s1], $0x8, s11, s15, $0xb8;
	[tilespmem:$0x8220] =	vst v63  }
0x76: {  	_ =	swait.ge [sflag:s30], $0x280  }
0x77: {  	[sflag:s30] =	ssyncset.done $0x0  }
.Ltmp0:
0x78: {  	s11 =	sadd.s32 $0x2850, s0;
	[sflag:s30] =	ssyncadd.s32 $0xFFFFFD80;
	(pc) =	sbr.rel @p1 .LBB2_2-.Ltmp0, $4  }
0x79: {  	[spmem:s2] =	stream.indirect.scatter.add.f32 [tilespmem:s23], [sflag:$0x6], $0x8, s11, s15, $0xb8;
	[tilespmem:$0x8220] =	vst v63  }
0x7a: {  	_ =	swait.ge [sflag:s10], $0x280  }
0x7b: {  	[sflag:s10] =	ssyncset.done $0x0  }
0x7c: {  	s0 =	sadd.s32 $0x2D0, s0;
	[sflag:s10] =	ssyncadd.s32 $0xFFFFFD80  }
0x7d: {  	[tilespmem:s23], [sflag:$0x5] =	stream.indirect.gather [spmem:s1], $0x8, s0, s15, $0xb8;
	[tilespmem:$0x8220] =	vst v63  }
0x7e: {  	_ =	swait.ge [sflag:s24], $0x280  }
0x7f: {  	[sflag:s24] =	ssyncset.done $0x0  }
0x80: {  	s31 =	simm.s32 $0x4C90;
	[sflag:s24] =	ssyncadd.s32 $0xFFFFFD80  }
0x81: {  	[spmem:s2] =	stream.indirect.scatter.add.f32 [tilespmem:s16], [sflag:$0x6], $0x8, s31, s15, $0xb8;
	[tilespmem:$0x8220] =	vst v63  }
0x82: {  	_ =	swait.ge [sflag:s10], $0x280  }
0x83: {  	[sflag:s10] =	ssyncset.done $0x0  }
0x84: {  	[sflag:s10] =	ssyncadd.s32 $0xFFFFFD80  }
0x85: {  	_ =	swait.ge [sflag:s26], $0x280  }
0x86: {  	[sflag:s26] =	ssyncset.done $0x0  }
0x87: {  	s11 =	simm.s32 $0x4CE0;
	[sflag:s26] =	ssyncadd.s32 $0xFFFFFD80  }
0x88: {  	[spmem:s2] =	stream.indirect.scatter.add.f32 [tilespmem:s17], [sflag:$0x6], $0x8, s11, s15, $0xb8;
	[tilespmem:$0x8220] =	vst v63  }
0x89: {  	_ =	swait.ge [sflag:s10], $0x280  }
0x8a: {  	[sflag:s10] =	ssyncset.done $0x0  }
0x8b: {  	[sflag:s10] =	ssyncadd.s32 $0xFFFFFD80  }
0x8c: {  	_ =	swait.ge [sflag:s28], $0x280  }
0x8d: {  	[sflag:s28] =	ssyncset.done $0x0  }
0x8e: {  	s31 =	simm.s32 $0x4D30;
	[sflag:s28] =	ssyncadd.s32 $0xFFFFFD80  }
0x8f: {  	[spmem:s2] =	stream.indirect.scatter.add.f32 [tilespmem:s19], [sflag:$0x6], $0x8, s31, s15, $0xb8;
	[tilespmem:$0x8220] =	vst v63  }
0x90: {  	_ =	swait.ge [sflag:s10], $0x280  }
0x91: {  	[sflag:s10] =	ssyncset.done $0x0  }
0x92: {  	[sflag:s10] =	ssyncadd.s32 $0xFFFFFD80  }
0x93: {  	_ =	swait.ge [sflag:s29], $0x280  }
0x94: {  	[sflag:s29] =	ssyncset.done $0x0  }
0x95: {  	[sflag:s29] =	ssyncadd.s32 $0xFFFFFD80  }
0x96: {  	[spmem:s2] =	stream.indirect.scatter.add.f32 [tilespmem:s21], [sflag:$0x6], $0x8, s18, s15, $0xb8;
	[tilespmem:$0x8220] =	vst v63  }
0x97: {  	_ =	swait.ge [sflag:s10], $0x280  }
0x98: {  	[sflag:s10] =	ssyncset.done $0x0  }
0x99: {  	[sflag:s10] =	ssyncadd.s32 $0xFFFFFD80  }
0x9a: {  	_ =	swait.ge [sflag:s30], $0x280  }
0x9b: {  	[sflag:s30] =	ssyncset.done $0x0  }
0x9c: {  	[sflag:s30] =	ssyncadd.s32 $0xFFFFFD80  }
0x9d: {  	[spmem:s2] =	stream.indirect.scatter.add.f32 [tilespmem:s23], [sflag:$0x6], $0x8, s20, s15, $0xb8;
	[tilespmem:$0x8220] =	vst v63  }
0x9e: {  	_ =	swait.ge [sflag:s10], $0x280  }
0x9f: {  	s22 =	sadd.s32 $0x1, s22;
	[sflag:s10] =	ssyncset.done $0x0  }
0xa0: {  	p1 =	sne.s32 s22, s9;
	[sflag:s10] =	ssyncadd.s32 $0xFFFFFD80  }
.Ltmp1:
0xa1: {  	[bflag:$0x0] =	sbarrier.arrive $0xFFFF;
	(pc) =	sbr.rel @p1 .LBB2_1-.Ltmp1, $4  }
0xa2: {  	[hbm:s8], [sflag:s12] =	dma.local [spmem:s25], $0x278  }
0xa3: {  	_ =	swait.ge [sflag:s10], $0x278  }
0xa4: {  	[sflag:s10] =	ssyncset.done $0x0  }
0xa5: {  	[sflag:s10] =	ssyncadd.s32 $0xFFFFFD88  }
0xa6: {  	_ =	sfence.sel $0x180000  }
0xa7: {  	[bflag:$0x0] =	sbarrier.arrive $0xFFFF  }
0xa8: {  	_ =	strace $0x9000004A  }
0xa9: {  	[bflag:$0x2] =	sbarrier.arrive $0xFFFF  }
0xaa: {  	s0 =	rddreg [dreg:$0x3]  }
0xab: {  	s0 =	sadd.s32 @!p0 $0x100000, s0  }
0xac: {  	[sflag:s0] =	ssyncadd.tile.s32 @!p0 $0x1;
	_ =	shalt  }
.Lfunc_end2:
_tile_overlayer_lowered:
.L_overlay_start_2:
0xad: {  	(tag) =	ssettag $0x2  }
0xae: {  	s0 =	rddreg [dreg:$0x0];
	s2 =	stileid.u32  }
0xaf: {  	s1 =	rddreg [dreg:$0x1];
	p0 =	sne.s32 s2, $0x0  }
0xb0: {  	s3 =	rddreg [dreg:$0x2];
	[bflag:$0x3] =	sbarrier.arrive $0xFFFF;
	s2 =	simm.s32 @!p0 $0x1C06  }
0xb1: {  	[timem:s3], [sflag:s2] =	dma.local @!p0 [hbm:s0], s1  }
0xb2: {  	s0 =	simm.s32 @!p0 $0x6  }
0xb3: {  	_ =	swait.ge @!p0 [sflag:s0], s1  }
0xb4: {  	s1 =	ssub.s32 @!p0 $0x0, s1;
	[sflag:s0] =	ssyncset.done @!p0 $0x0  }
0xb5: {  	[sflag:s0] =	ssyncadd.s32 @!p0 s1  }
0xb6: {  	[bflag:$0x3] =	sbarrier.arrive $0xFFFF  }
0xb7: {  	_ =	shalt  }

// kernel: kernel.14.cloned.1.call-start
scs
__scs_entry_jumppad:
0x0: {  	(pc) =	sbr.rel $0x88, $3  }
0x1: {  	(tag) =	ssettag $0x0;
	lr =	simm.s32 $0x1  }
0x2: {  	[smem:$0x3F9D] =	sst lr;
	_ =	strace $0xD0000000  }
0x3: {  	_ = 	snop  }
0x4: {  	_ = 	snop  }
0x5: {  	_ = 	snop  }
0x6: {  	_ = 	snop  }
0x7: {  	_ = 	snop  }
__scs_overlays_trampoline_lowered:
0x8: {  	[smem:$0x3FAC] =	sst s0  }
0x9: {  	[smem:$0x3FAD] =	sst s1  }
0xa: {  	[smem:$0x3FAE] =	sst s2  }
0xb: {  	[smem:$0x3FAF] =	sst s3  }
0xc: {  	[smem:$0x3FB0] =	sst s4  }
0xd: {  	[smem:$0x3FB1] =	sst s5  }
0xe: {  	[smem:$0x3FB2] =	sst s6  }
0xf: {  	[smem:$0x3FB3] =	sst s7  }
0x10: {  	[smem:$0x3FB4] =	sst s8  }
0x11: {  	[smem:$0x3FB5] =	sst s9;
	s0 =	simm.s32 @!p0 $0x0  }
0x12: {  	s1 =	sld [smem:$0x3F9B];
	s0 =	simm.s32 @p0 $0x1  }
0x13: {  	[smem:$0x3FB6] =	sst s0;
	s0 =	simm.s32 @!p1 $0x0  }
0x14: {  	s2 =	sld [smem:$0x3F9A];
	s0 =	simm.s32 @p1 $0x1  }
0x15: {  	[smem:$0x3FB7] =	sst s0;
	s0 =	simm.s32 @!p2 $0x0  }
0x16: {  	s3 =	sld [smem:$0x3FDB];
	s0 =	simm.s32 @p2 $0x1  }
0x17: {  	s4 =	simm.s32 $0x1BF5;
	[smem:$0x3FB9] =	sst s0  }
0x18: {  	s0 =	sld [smem:$0x3F9C];
	_ =	swait.ge [sflag:s4], $0x0  }
0x19: {  	s7 =	sld [smem:$0x3F9D]  }
0x1a: {  	s8 =	sadd.s32 $0xFFFFE003, lr  }
0x1b: {  	s9 =	sadd.s32 $0xFFFFFEF7, lr;
	s5 =	simm.s32 $0xFFFFFFFF;
	p2 =	slt.u32 s8, $0xFFFFF086  }
0x1c: {  	p1 =	slt.u32 s9, $0xF7A;
	s5 =	simm.s32 @!p2 $0x0  }
0x1d: {  	s5 =	simm.s32 @p1 $0x1;
	p0 =	seq.s32 s7, s2  }
0x1e: {  	s7 =	smul.u32 @!p0 $0xF7A, s2;
	p2 =	seq.s32 @!p0 s5, $0x0  }
0x1f: {  	s9 =	smul.u32 $0xF7A, s1;
	s8 =	simm.s32 @!p0 $0x1BF5;
	p2 =	por !p2, p0  }
0x20: {  	[sflag:s8] =	ssyncset.s32 @!p0 $0xFFFFF086;
	s6 =	sadd.s32 @!p0 s3, s7;
	s7 =	simm.s32 @!p0 $0x108  }
0x21: {  	s3 =	sadd.s32 s3, s9;
	s6 =	sadd.s32 @!p0 $0x88, s6;
	s7 =	simm.s32 @p2 $0x1082  }
0x22: {  	[simem:s7], [sflag:s8] =	dma.local @!p0 [hbm:s6], $0xF7A  }
0x23: {  	s9 =	sor.u32 $0xD0000000, s2;
	s6 =	simm.s32 $0x108;
	_ =	swait.ge @!p0 [sflag:s8], $0x0  }
0x24: {  	s3 =	sadd.s32 $0x88, s3;
	s6 =	simm.s32 @!p1 $0x1082;
	[sflag:s4] =	ssyncset.s32 $0xFFFFF086  }
0x25: {  	[simem:s6], [sflag:s4] =	dma.local [hbm:s3], $0xF7A  }
0x26: {  	[smem:$0x3F9D] =	sst s1;
	(tag) =	ssettag s2;
	_ =	strace s9  }
0x27: {  	s1 =	sld [smem:$0x3FAD]  }
0x28: {  	s2 =	sld [smem:$0x3FAE]  }
0x29: {  	s4 =	sld [smem:$0x3FB0]  }
0x2a: {  	p0 =	seq.s32 s5, $0x0;
	s5 =	sld [smem:$0x3FB1]  }
0x2b: {  	s6 =	sld [smem:$0x3FB2]  }
0x2c: {  	s7 =	sld [smem:$0x3FB3]  }
0x2d: {  	s3 =	simm.s32 $0x108;
	s8 =	sld [smem:$0x3FB4]  }
0x2e: {  	s3 =	simm.s32 @!p0 $0x1082;
	s9 =	sld [smem:$0x3FB5]  }
0x2f: {  	lr =	sadd.s32 s0, s3;
	s0 =	sld [smem:$0x3FAC]  }
0x30: {  	s3 =	sld [smem:$0x3FAF]  }
0x31: {  	[smem:$0x3FB8] =	sst s10  }
0x32: {  	s10 =	sld [smem:$0x3FB6];
	_ =	sdelay $0x3  }
0x33: {  	p0 =	seq.s32 s10, $0x1;
	s10 =	sld [smem:$0x3FB8];
	_ =	sdelay $0x3  }
0x34: {  	[smem:$0x3FB8] =	sst s10  }
0x35: {  	s10 =	sld [smem:$0x3FB7];
	_ =	sdelay $0x3  }
0x36: {  	p1 =	seq.s32 s10, $0x1;
	s10 =	sld [smem:$0x3FB8];
	_ =	sdelay $0x3  }
0x37: {  	[smem:$0x3FB8] =	sst s10  }
0x38: {  	s10 =	sld [smem:$0x3FB9]  }
0x39: {  	_ = 	snop;
	(pc) =	sbr.ind lr, $3  }
0x3a: {  	_ = 	snop  }
0x3b: {  	_ = 	snop  }
0x3c: {  	p2 =	seq.s32 s10, $0x1;
	s10 =	sld [smem:$0x3FB8]  }
0x3d: {  	_ =	shalt  }
0x3e: {  	_ =	shalt  }
0x3f: {  	_ =	shalt  }
0x40: {  	_ =	shalt  }
0x41: {  	_ =	shalt  }
0x42: {  	_ =	shalt  }
0x43: {  	_ =	shalt  }
0x44: {  	_ =	shalt  }
0x45: {  	_ =	shalt  }
0x46: {  	_ =	shalt  }
0x47: {  	_ =	shalt  }
0x48: {  	_ =	shalt  }
0x49: {  	_ =	shalt  }
0x4a: {  	_ =	shalt  }
0x4b: {  	_ =	shalt  }
0x4c: {  	_ =	shalt  }
0x4d: {  	_ =	shalt  }
0x4e: {  	_ =	shalt  }
0x4f: {  	_ =	shalt  }
0x50: {  	_ =	shalt  }
0x51: {  	_ =	shalt  }
0x52: {  	_ =	shalt  }
0x53: {  	_ =	shalt  }
0x54: {  	_ =	shalt  }
0x55: {  	_ =	shalt  }
0x56: {  	_ =	shalt  }
0x57: {  	_ =	shalt  }
0x58: {  	_ =	shalt  }
0x59: {  	_ =	shalt  }
0x5a: {  	_ =	shalt  }
0x5b: {  	_ =	shalt  }
0x5c: {  	_ =	shalt  }
0x5d: {  	_ =	shalt  }
0x5e: {  	_ =	shalt  }
0x5f: {  	_ =	shalt  }
0x60: {  	_ =	shalt  }
0x61: {  	_ =	shalt  }
0x62: {  	_ =	shalt  }
0x63: {  	_ =	shalt  }
0x64: {  	_ =	shalt  }
0x65: {  	_ =	shalt  }
0x66: {  	_ =	shalt  }
0x67: {  	_ =	shalt  }
0x68: {  	_ =	shalt  }
0x69: {  	_ =	shalt  }
0x6a: {  	_ =	shalt  }
0x6b: {  	_ =	shalt  }
0x6c: {  	_ =	shalt  }
0x6d: {  	_ =	shalt  }
0x6e: {  	_ =	shalt  }
0x6f: {  	_ =	shalt  }
0x70: {  	_ =	shalt  }
0x71: {  	_ =	shalt  }
0x72: {  	_ =	shalt  }
0x73: {  	_ =	shalt  }
0x74: {  	_ =	shalt  }
0x75: {  	_ =	shalt  }
0x76: {  	_ =	shalt  }
0x77: {  	_ =	shalt  }
0x78: {  	_ =	shalt  }
0x79: {  	_ =	shalt  }
0x7a: {  	_ =	shalt  }
0x7b: {  	_ =	shalt  }
0x7c: {  	_ =	shalt  }
0x7d: {  	_ =	shalt  }
0x7e: {  	_ =	shalt  }
0x7f: {  	_ =	shalt  }
0x80: {  	_ =	shalt  }
0x81: {  	_ =	shalt  }
0x82: {  	_ =	shalt  }
0x83: {  	_ =	shalt  }
0x84: {  	_ =	shalt  }
0x85: {  	_ =	shalt  }
0x86: {  	_ =	shalt  }
0x87: {  	_ =	shalt  }
.Lfunc_end0:
.L_simem_size_0:
called_computation.2_lowered:
.L_overlay_start_0:
0x88: {  	s2 =	sld [smem:$0x3FD9]  }
0x89: {  	s3 =	sld [smem:$0x3FFE];
	_ =	sdelay $0x1  }
0x8a: {  	s1 =	srdreg.scid  }
0x8b: {  	s0 =	sand.u32 $0x1, s1  }
0x8c: {  	s16 =	sshll.u32 s0, $0xA;
	s2 =	sadd.s32 s3, s2  }
0x8d: {  	s2 =	sadd.s32 s2, s16  }
0x8e: {  	[smem:$0x3FC4] =	sst s2  }
0x8f: {  	_ = 	snop  }
0x90: {  	(tm) =	ssettm $0x1  }
0x91: {  	s17 =	sld [smem:$0x3FFB];
	_ =	sdelay $0x3  }
0x92: {  	_ =	strace s17  }
0x93: {  	s2 =	sld [smem:$0x3FFC];
	_ =	sdelay $0x3  }
0x94: {  	_ =	strace s2  }
0x95: {  	s2 =	sld [smem:$0x3FFD];
	_ =	sdelay $0x3  }
0x96: {  	_ =	strace s2  }
0x97: {  	_ =	strace $0x8FFFFFFF  }
0x98: {  	s18 =	sld [smem:$0x3FDB];
	_ =	sdelay $0x1  }
0x99: {  	s19 =	simm.s32 $_scs_section_size  }
0x9a: {  	s4 =	simm.s32 $_size__tile_overlayer_lowered;
	s5 =	simm.s32 $_tile_overlayer_lowered  }
0x9b: {  	s22 =	simm.s32 $0x1BFF;
	s21 =	sshll.u32 s5, $0x1;
	s2 =	sadd.s32 s19, s18  }
0x9c: {  	s6 =	simm.s32 $0x0;
	s20 =	sshll.u32 s4, $0x1;
	s4 =	sadd.s32 s21, s2  }
0x9d: {  	[timem:s6], [sflag:s22] =	dma.local [hbm:s4], s20  }
0x9e: {  	_ =	swait.ge [sflag:s22], s20  }
0x9f: {  	s3 =	ssub.s32 $0x0, s20;
	[sflag:s22] =	ssyncset.done $0x0  }
0xa0: {  	[sflag:s22] =	ssyncadd.s32 s3;
	_ =	sdelay $0x1  }
0xa1: {  	s23 =	simm.s32 $0x1B8B  }
0xa2: {  	_ =	swait.ge [sflag:s23], $0x1  }
0xa3: {  	[sflag:s23] =	ssyncset.done $0x0  }
0xa4: {  	s25 =	simm.s32 $0x1B8E;
	s24 =	sld [smem:$0x3FFE];
	[sflag:s23] =	ssyncadd.s32 $0xFFFFFFFF  }
0xa5: {  	s26 =	simm.s32 $execute0_lowered;
	[smem:$0x3FD2] =	sst s25  }
0xa6: {  	s4 =	sshll.u32 s26, $0x1;
	_ =	strace $0x8000004C;
	[dreg:$0x1] =	wrdreg $0xFFFFFFFF  }
0xa7: {  	s28 =	simm.s32 $_size_execute0_lowered;
	s2 =	sadd.s32 s2, s4;
	[dreg:$0x0] =	wrdreg $0x0  }
0xa8: {  	s4 =	sshll.u32 s28, $0x1;
	[dreg:$0x2] =	wrdreg s2  }
0xa9: {  	[dreg:$0x3] =	wrdreg s4  }
0xaa: {  	[dreg:$0x4] =	wrdreg $0xC0  }
0xab: {  	_ =	task [dreg:s6], $0x5FFFF  }
0xac: {  	[dreg:$0x1] =	wrdreg $0xFFFFFFFF  }
0xad: {  	[dreg:$0x0] =	wrdreg $0x60  }
0xae: {  	[dreg:$0x2] =	wrdreg s24  }
0xaf: {  	[dreg:$0x3] =	wrdreg $0x6E600  }
0xb0: {  	[dreg:$0x4] =	wrdreg $0x5AA00  }
0xb1: {  	[dreg:$0x5] =	wrdreg $0x9  }
0xb2: {  	_ =	task.clear_ibuf [dreg:s6], $0x6FFFF;
	_ =	strace $0x9000004C  }
0xb3: {  	s29 =	simm.s32 $0x9;
	_ =	strace $0x8000004E  }
0xb4: {  	_ =	swait.ge [sflag:s29], $0x1  }
0xb5: {  	[sflag:s29] =	ssyncadd.s32 $0xFFFFFFFF  }
0xb6: {  	_ =	strace $0x9000004E  }
0xb7: {  	_ =	sfence  }
0xb8: {  	s30 =	sld [smem:$0x0];
	_ =	sdelay $0x2  }
0xb9: {  	s31 =	sshll.u32 s1, $0xD;
	s1 =	sshrl.u32 s1, $0x2  }
0xba: {  	s3 =	sand.u32 $0x4000, s31;
	s1 =	sadd.s32 s1, s30  }
0xbb: {  	s0 =	sor.u32 s3, s0;
	s1 =	sshll.u32 s1, $0x11  }
0xbc: {  	s0 =	sor.u32 s1, s0  }
0xbd: {  	s0 =	sadd.s32 $0x8F2B, s0  }
0xbe: {  	[sflag:s0] =	ssyncadd.remote.s32 $0x1  }
0xbf: {  	_ =	sfence.sel $0xFFFF  }
0xc0: {  	[dreg:$0x0] =	wrdreg $0xFFFFFFFF;
	(pc) =	sbr.abs _section_cstart, $3  }
0xc1: {  	[dreg:$0x1] =	wrdreg $0xFFFFFFFF  }
0xc2: {  	_ =	task.clear_ibuf [dreg:s6], $0x2FFFF;
	_ =	strace $0x9FFFFFFF  }
0xc3: {  	(tm) =	ssettm $0x7FFFFFFF  }
tec
execute0_lowered:
.L_overlay_start_1:
0x0: {  	(tag) =	ssettag $0x1  }
0x1: {  	s0 =	srdreg.scid;
	s5 =	rddreg [dreg:$0x0]  }
0x2: {  	s11 =	stileid.u32;
	s1 =	rddreg [dreg:$0x1]  }
0x3: {  	s15 =	simm.s32 $0x50;
	s16 =	simm.s32 $0x4E20;
	s17 =	simm.s32 $0x50A0  }
0x4: {  	s19 =	simm.s32 $0x5320;
	s21 =	simm.s32 $0x55A0;
	s23 =	simm.s32 $0x5820  }
0x5: {  	s24 =	simm.s32 $0x1;
	s28 =	simm.s32 $0x3;
	s29 =	simm.s32 $0x4  }
0x6: {  	s30 =	simm.s32 $0x5;
	s20 =	simm.s32 $0x4DD0;
	s22 =	simm.s32 $0x0  }
0x7: {  	s0 =	sand.u32 $0x1, s0;
	s9 =	smul.u32 $0x13C0, s11;
	p0 =	sne.s32 s11, $0x0  }
0x8: {  	s31 =	sshll.u32 s11, $0x6;
	s2 =	sshll.u32 s0, $0x4;
	s6 =	smul.u32 $0x13C00, s0  }
0x9: {  	s0 =	ssub.s32 $0x2, s0;
	s12 =	sor.u32 $0x1C06, s31;
	s3 =	sor.u32 s11, s2  }
0xa: {  	s2 =	rddreg [dreg:$0x2];
	s25 =	sshrl.u32 s9, $0x3;
	s26 =	sshrl.u32 s0, $0x1  }
0xb: {  	s13 =	sadd.s32 s9, s1;
	s4 =	smul.u32 $0x4E2, s3;
	s3 =	simm.s32 $0x0  }
0xc: {  	s6 =	sadd.s32 s9, s6;
	s8 =	sadd.s32 s25, s5;
	s0 =	ssub.s32 s0, s26  }
0xd: {  	s18 =	sadd.s32 s9, s2;
	s13 =	sshrl.u32 s13, $0x3;
	s14 =	sshrl.u32 @!p0 s2, $0x3  }
0xe: {  	s26 =	simm.s32 $0x2;
	[smem:$0x7FF] =	sst s3;
	s6 =	sshrl.u32 s6, $0x3  }
0xf: {  	s9 =	smax.u32 s0, $0x1;
	s25 =	sshrl.u32 s18, $0x3;
	s18 =	simm.s32 $0x4D80  }
0x10: {  	_ =	strace $0x8000004D;
	s7 =	sadd.s32 s4, s5;
	s4 =	sadd.s32 $0x15000, s5  }
0x11: {  	s10 =	sadd.s32 s6, s5;
	s5 =	sadd.s32 $0xB200, s7;
	s6 =	sadd.s32 $0x1400, s7  }
0x12: {  	s7 =	sadd.s32 $0x17800, s8;
	s8 =	sadd.s32 $0x1A000, s10;
	s10 =	simm.s32 $0x6  }
.LBB2_1:
0x13: {  	[tilespmem:s3], [sflag:$0x6] =	stream.linear.gather [hbm4b:s5+s3], $0x2710, $0x38;
	[tilespmem:$0x8220] =	vst v63  }
0x14: {  	_ =	swait.ge [sflag:s10], $0x2710  }
0x15: {  	[sflag:s10] =	ssyncset.done $0x0  }
0x16: {  	s0 =	simm.s32 $0x2710;
	[sflag:s10] =	ssyncadd.s32 $0xFFFFD8F0  }
0x17: {  	[tilespmem:s0], [sflag:$0x6] =	stream.linear.gather [hbm4b:s6+s3], $0x2710, $0x38;
	[tilespmem:$0x8220] =	vst v63  }
0x18: {  	_ =	swait.ge [sflag:s10], $0x2710  }
0x19: {  	[sflag:s10] =	ssyncset.done $0x0  }
0x1a: {  	[sflag:s10] =	ssyncadd.s32 $0xFFFFD8F0  }
0x1b: {  	[spmem:s13], [sflag:s12] =	dma.local [hbm:s7], $0x278  }
0x1c: {  	_ =	swait.ge [sflag:s10], $0x278  }
0x1d: {  	[sflag:s10] =	ssyncset.done $0x0  }
0x1e: {  	s0 =	simm.s32 @!p0 $0x6;
	[sflag:s10] =	ssyncadd.s32 $0xFFFFFD88  }
0x1f: {  	[spmem:s14], [sflag:s12] =	dma.local @!p0 [hbm:s4], $0x2780  }
0x20: {  	_ =	swait.ge @!p0 [sflag:s0], $0x2780  }
0x21: {  	[sflag:s0] =	ssyncset.done @!p0 $0x0  }
0x22: {  	[sflag:s0] =	ssyncadd.s32 @!p0 $0xFFFFD880  }
0x23: {  	[bflag:$0x0] =	sbarrier.arrive $0xFFFF  }
0x24: {  	[tilespmem:s16], [sflag:$0x1] =	stream.indirect.gather [spmem:s1], $0x8, s3, s15, $0xb8;
	[tilespmem:$0x8220] =	vst v63  }
0x25: {  	_ = 	snop  }
0x26: {  	[tilespmem:s17], [sflag:$0x2] =	stream.indirect.gather [spmem:s1], $0x8, s15, s15, $0xb8;
	[tilespmem:$0x8220] =	vst v63  }
0x27: {  	s11 =	simm.s32 $0xA0  }
0x28: {  	[tilespmem:s19], [sflag:$0x3] =	stream.indirect.gather [spmem:s1], $0x8, s11, s15, $0xb8;
	[tilespmem:$0x8220] =	vst v63  }
0x29: {  	s11 =	simm.s32 $0xF0  }
0x2a: {  	[tilespmem:s21], [sflag:$0x4] =	stream.indirect.gather [spmem:s1], $0x8, s11, s15, $0xb8;
	[tilespmem:$0x8220] =	vst v63  }
0x2b: {  	s11 =	simm.s32 $0x140  }
0x2c: {  	[tilespmem:s23], [sflag:$0x5] =	stream.indirect.gather [spmem:s1], $0x8, s11, s15, $0xb8;
	[tilespmem:$0x8220] =	vst v63  }
0x2d: {  	_ =	swait.ge [sflag:s24], $0x280  }
0x2e: {  	[sflag:s24] =	ssyncset.done $0x0  }
0x2f: {  	s11 =	simm.s32 $0x2710;
	[sflag:s24] =	ssyncadd.s32 $0xFFFFFD80  }
0x30: {  	[spmem:s2] =	stream.indirect.scatter.add.f32 [tilespmem:s16], [sflag:$0x6], $0x8, s11, s15, $0xb8;
	[tilespmem:$0x8220] =	vst v63  }
0x31: {  	_ =	swait.ge [sflag:s10], $0x280  }
0x32: {  	[sflag:s10] =	ssyncset.done $0x0  }
0x33: {  	s11 =	simm.s32 $0x190;
	[sflag:s10] =	ssyncadd.s32 $0xFFFFFD80  }
0x34: {  	[tilespmem:s16], [sflag:$0x1] =	stream.indirect.gather [spmem:s1], $0x8, s11, s15, $0xb8;
	[tilespmem:$0x8220] =	vst v63  }
0x35: {  	_ =	swait.ge [sflag:s26], $0x280  }
0x36: {  	[sflag:s26] =	ssyncset.done $0x0  }
0x37: {  	s11 =	simm.s32 $0x2760;
	[sflag:s26] =	ssyncadd.s32 $0xFFFFFD80  }
0x38: {  	[spmem:s2] =	stream.indirect.scatter.add.f32 [tilespmem:s17], [sflag:$0x6], $0x8, s11, s15, $0xb8;
	[tilespmem:$0x8220] =	vst v63  }
0x39: {  	_ =	swait.ge [sflag:s10], $0x280  }
0x3a: {  	[sflag:s10] =	ssyncset.done $0x0  }
0x3b: {  	s11 =	simm.s32 $0x1E0;
	[sflag:s10] =	ssyncadd.s32 $0xFFFFFD80  }
0x3c: {  	[tilespmem:s17], [sflag:$0x2] =	stream.indirect.gather [spmem:s1], $0x8, s11, s15, $0xb8;
	[tilespmem:$0x8220] =	vst v63  }
0x3d: {  	_ =	swait.ge [sflag:s28], $0x280  }
0x3e: {  	[sflag:s28] =	ssyncset.done $0x0  }
0x3f: {  	s11 =	simm.s32 $0x27B0;
	[sflag:s28] =	ssyncadd.s32 $0xFFFFFD80  }
0x40: {  	[spmem:s2] =	stream.indirect.scatter.add.f32 [tilespmem:s19], [sflag:$0x6], $0x8, s11, s15, $0xb8;
	[tilespmem:$0x8220] =	vst v63  }
0x41: {  	_ =	swait.ge [sflag:s10], $0x280  }
0x42: {  	[sflag:s10] =	ssyncset.done $0x0  }
0x43: {  	s11 =	simm.s32 $0x230;
	[sflag:s10] =	ssyncadd.s32 $0xFFFFFD80  }
0x44: {  	[tilespmem:s19], [sflag:$0x3] =	stream.indirect.gather [spmem:s1], $0x8, s11, s15, $0xb8;
	[tilespmem:$0x8220] =	vst v63  }
0x45: {  	_ =	swait.ge [sflag:s29], $0x280  }
0x46: {  	[sflag:s29] =	ssyncset.done $0x0  }
0x47: {  	s11 =	simm.s32 $0x2800;
	[sflag:s29] =	ssyncadd.s32 $0xFFFFFD80  }
0x48: {  	[spmem:s2] =	stream.indirect.scatter.add.f32 [tilespmem:s21], [sflag:$0x6], $0x8, s11, s15, $0xb8;
	[tilespmem:$0x8220] =	vst v63  }
0x49: {  	_ =	swait.ge [sflag:s10], $0x280  }
0x4a: {  	[sflag:s10] =	ssyncset.done $0x0  }
0x4b: {  	s11 =	simm.s32 $0x280;
	[sflag:s10] =	ssyncadd.s32 $0xFFFFFD80  }
0x4c: {  	[tilespmem:s21], [sflag:$0x4] =	stream.indirect.gather [spmem:s1], $0x8, s11, s15, $0xb8;
	[tilespmem:$0x8220] =	vst v63  }
0x4d: {  	_ =	swait.ge [sflag:s30], $0x280  }
0x4e: {  	[sflag:s30] =	ssyncset.done $0x0  }
0x4f: {  	s11 =	simm.s32 $0x2850;
	[sflag:s30] =	ssyncadd.s32 $0xFFFFFD80  }
0x50: {  	[spmem:s2] =	stream.indirect.scatter.add.f32 [tilespmem:s23], [sflag:$0x6], $0x8, s11, s15, $0xb8;
	[tilespmem:$0x8220] =	vst v63  }
0x51: {  	_ =	swait.ge [sflag:s10], $0x280  }
0x52: {  	[sflag:s10] =	ssyncset.done $0x0  }
0x53: {  	s31 =	simm.s32 $0x640;
	s0 =	simm.s32 $0x2D0;
	[sflag:s10] =	ssyncadd.s32 $0xFFFFFD80  }
.LBB2_2:
0x54: {  	[tilespmem:s23], [sflag:$0x5] =	stream.indirect.gather [spmem:s1], $0x8, s0, s15, $0xb8;
	[tilespmem:$0x8220] =	vst v63  }
0x55: {  	s0 =	smov.u32 s31  }
0x56: {  	p1 =	sne.s32 s31, $0x8FC0;
	s31 =	sadd.s32 $0x640, s31;
	_ =	swait.ge [sflag:s24], $0x280  }
0x57: {  	s0 =	sshra.s32 s0, $0x2;
	[sflag:s24] =	ssyncset.done $0x0  }
0x58: {  	s11 =	sadd.s32 $0x2710, s0;
	[sflag:s24] =	ssyncadd.s32 $0xFFFFFD80  }
0x59: {  	[spmem:s2] =	stream.indirect.scatter.add.f32 [tilespmem:s16], [sflag:$0x6], $0x8, s11, s15, $0xb8;
	[tilespmem:$0x8220] =	vst v63  }
0x5a: {  	_ =	swait.ge [sflag:s10], $0x280  }
0x5b: {  	[sflag:s10] =	ssyncset.done $0x0  }
0x5c: {  	s11 =	sadd.s32 $0x190, s0;
	[sflag:s10] =	ssyncadd.s32 $0xFFFFFD80  }
0x5d: {  	[tilespmem:s16], [sflag:$0x1] =	stream.indirect.gather [spmem:s1], $0x8, s11, s15, $0xb8;
	[tilespmem:$0x8220] =	vst v63  }
0x5e: {  	_ =	swait.ge [sflag:s26], $0x280  }
0x5f: {  	[sflag:s26] =	ssyncset.done $0x0  }
0x60: {  	s11 =	sadd.s32 $0x2760, s0;
	[sflag:s26] =	ssyncadd.s32 $0xFFFFFD80  }
0x61: {  	[spmem:s2] =	stream.indirect.scatter.add.f32 [tilespmem:s17], [sflag:$0x6], $0x8, s11, s15, $0xb8;
	[tilespmem:$0x8220] =	vst v63  }
0x62: {  	_ =	swait.ge [sflag:s10], $0x280  }
0x63: {  	[sflag:s10] =	ssyncset.done $0x0  }
0x64: {  	s11 =	sadd.s32 $0x1E0, s0;
	[sflag:s10] =	ssyncadd.s32 $0xFFFFFD80  }
0x65: {  	[tilespmem:s17], [sflag:$0x2] =	stream.indirect.gather [spmem:s1], $0x8, s11, s15, $0xb8;
	[tilespmem:$0x8220] =	vst v63  }
0x66: {  	_ =	swait.ge [sflag:s28], $0x280  }
0x67: {  	[sflag:s28] =	ssyncset.done $0x0  }
0x68: {  	s11 =	sadd.s32 $0x27B0, s0;
	[sflag:s28] =	ssyncadd.s32 $0xFFFFFD80  }
0x69: {  	[spmem:s2] =	stream.indirect.scatter.add.f32 [tilespmem:s19], [sflag:$0x6], $0x8, s11, s15, $0xb8;
	[tilespmem:$0x8220] =	vst v63  }
0x6a: {  	_ =	swait.ge [sflag:s10], $0x280  }
0x6b: {  	[sflag:s10] =	ssyncset.done $0x0  }
0x6c: {  	s11 =	sadd.s32 $0x230, s0;
	[sflag:s10] =	ssyncadd.s32 $0xFFFFFD80  }
0x6d: {  	[tilespmem:s19], [sflag:$0x3] =	stream.indirect.gather [spmem:s1], $0x8, s11, s15, $0xb8;
	[tilespmem:$0x8220] =	vst v63  }
0x6e: {  	_ =	swait.ge [sflag:s29], $0x280  }
0x6f: {  	[sflag:s29] =	ssyncset.done $0x0  }
0x70: {  	s11 =	sadd.s32 $0x2800, s0;
	[sflag:s29] =	ssyncadd.s32 $0xFFFFFD80  }
0x71: {  	[spmem:s2] =	stream.indirect.scatter.add.f32 [tilespmem:s21], [sflag:$0x6], $0x8, s11, s15, $0xb8;
	[tilespmem:$0x8220] =	vst v63  }
0x72: {  	_ =	swait.ge [sflag:s10], $0x280  }
0x73: {  	[sflag:s10] =	ssyncset.done $0x0  }
0x74: {  	s11 =	sadd.s32 $0x280, s0;
	[sflag:s10] =	ssyncadd.s32 $0xFFFFFD80  }
0x75: {  	[tilespmem:s21], [sflag:$0x4] =	stream.indirect.gather [spmem:s1], $0x8, s11, s15, $0xb8;
	[tilespmem:$0x8220] =	vst v63  }
0x76: {  	_ =	swait.ge [sflag:s30], $0x280  }
0x77: {  	[sflag:s30] =	ssyncset.done $0x0  }
.Ltmp0:
0x78: {  	s11 =	sadd.s32 $0x2850, s0;
	[sflag:s30] =	ssyncadd.s32 $0xFFFFFD80;
	(pc) =	sbr.rel @p1 .LBB2_2-.Ltmp0, $4  }
0x79: {  	[spmem:s2] =	stream.indirect.scatter.add.f32 [tilespmem:s23], [sflag:$0x6], $0x8, s11, s15, $0xb8;
	[tilespmem:$0x8220] =	vst v63  }
0x7a: {  	_ =	swait.ge [sflag:s10], $0x280  }
0x7b: {  	[sflag:s10] =	ssyncset.done $0x0  }
0x7c: {  	s0 =	sadd.s32 $0x2D0, s0;
	[sflag:s10] =	ssyncadd.s32 $0xFFFFFD80  }
0x7d: {  	[tilespmem:s23], [sflag:$0x5] =	stream.indirect.gather [spmem:s1], $0x8, s0, s15, $0xb8;
	[tilespmem:$0x8220] =	vst v63  }
0x7e: {  	_ =	swait.ge [sflag:s24], $0x280  }
0x7f: {  	[sflag:s24] =	ssyncset.done $0x0  }
0x80: {  	s31 =	simm.s32 $0x4C90;
	[sflag:s24] =	ssyncadd.s32 $0xFFFFFD80  }
0x81: {  	[spmem:s2] =	stream.indirect.scatter.add.f32 [tilespmem:s16], [sflag:$0x6], $0x8, s31, s15, $0xb8;
	[tilespmem:$0x8220] =	vst v63  }
0x82: {  	_ =	swait.ge [sflag:s10], $0x280  }
0x83: {  	[sflag:s10] =	ssyncset.done $0x0  }
0x84: {  	[sflag:s10] =	ssyncadd.s32 $0xFFFFFD80  }
0x85: {  	_ =	swait.ge [sflag:s26], $0x280  }
0x86: {  	[sflag:s26] =	ssyncset.done $0x0  }
0x87: {  	s11 =	simm.s32 $0x4CE0;
	[sflag:s26] =	ssyncadd.s32 $0xFFFFFD80  }
0x88: {  	[spmem:s2] =	stream.indirect.scatter.add.f32 [tilespmem:s17], [sflag:$0x6], $0x8, s11, s15, $0xb8;
	[tilespmem:$0x8220] =	vst v63  }
0x89: {  	_ =	swait.ge [sflag:s10], $0x280  }
0x8a: {  	[sflag:s10] =	ssyncset.done $0x0  }
0x8b: {  	[sflag:s10] =	ssyncadd.s32 $0xFFFFFD80  }
0x8c: {  	_ =	swait.ge [sflag:s28], $0x280  }
0x8d: {  	[sflag:s28] =	ssyncset.done $0x0  }
0x8e: {  	s31 =	simm.s32 $0x4D30;
	[sflag:s28] =	ssyncadd.s32 $0xFFFFFD80  }
0x8f: {  	[spmem:s2] =	stream.indirect.scatter.add.f32 [tilespmem:s19], [sflag:$0x6], $0x8, s31, s15, $0xb8;
	[tilespmem:$0x8220] =	vst v63  }
0x90: {  	_ =	swait.ge [sflag:s10], $0x280  }
0x91: {  	[sflag:s10] =	ssyncset.done $0x0  }
0x92: {  	[sflag:s10] =	ssyncadd.s32 $0xFFFFFD80  }
0x93: {  	_ =	swait.ge [sflag:s29], $0x280  }
0x94: {  	[sflag:s29] =	ssyncset.done $0x0  }
0x95: {  	[sflag:s29] =	ssyncadd.s32 $0xFFFFFD80  }
0x96: {  	[spmem:s2] =	stream.indirect.scatter.add.f32 [tilespmem:s21], [sflag:$0x6], $0x8, s18, s15, $0xb8;
	[tilespmem:$0x8220] =	vst v63  }
0x97: {  	_ =	swait.ge [sflag:s10], $0x280  }
0x98: {  	[sflag:s10] =	ssyncset.done $0x0  }
0x99: {  	[sflag:s10] =	ssyncadd.s32 $0xFFFFFD80  }
0x9a: {  	_ =	swait.ge [sflag:s30], $0x280  }
0x9b: {  	[sflag:s30] =	ssyncset.done $0x0  }
0x9c: {  	[sflag:s30] =	ssyncadd.s32 $0xFFFFFD80  }
0x9d: {  	[spmem:s2] =	stream.indirect.scatter.add.f32 [tilespmem:s23], [sflag:$0x6], $0x8, s20, s15, $0xb8;
	[tilespmem:$0x8220] =	vst v63  }
0x9e: {  	_ =	swait.ge [sflag:s10], $0x280  }
0x9f: {  	s22 =	sadd.s32 $0x1, s22;
	[sflag:s10] =	ssyncset.done $0x0  }
0xa0: {  	p1 =	sne.s32 s22, s9;
	[sflag:s10] =	ssyncadd.s32 $0xFFFFFD80  }
.Ltmp1:
0xa1: {  	[bflag:$0x0] =	sbarrier.arrive $0xFFFF;
	(pc) =	sbr.rel @p1 .LBB2_1-.Ltmp1, $4  }
0xa2: {  	[hbm:s8], [sflag:s12] =	dma.local [spmem:s25], $0x278  }
0xa3: {  	_ =	swait.ge [sflag:s10], $0x278  }
0xa4: {  	[sflag:s10] =	ssyncset.done $0x0  }
0xa5: {  	[sflag:s10] =	ssyncadd.s32 $0xFFFFFD88  }
0xa6: {  	_ =	sfence.sel $0x180000  }
0xa7: {  	[bflag:$0x0] =	sbarrier.arrive $0xFFFF  }
0xa8: {  	_ =	strace $0x9000004D  }
0xa9: {  	[bflag:$0x2] =	sbarrier.arrive $0xFFFF  }
0xaa: {  	s0 =	rddreg [dreg:$0x3]  }
0xab: {  	s0 =	sadd.s32 @!p0 $0x100000, s0  }
0xac: {  	[sflag:s0] =	ssyncadd.tile.s32 @!p0 $0x1;
	_ =	shalt  }
.Lfunc_end2:
_tile_overlayer_lowered:
.L_overlay_start_2:
0xad: {  	(tag) =	ssettag $0x2  }
0xae: {  	s0 =	rddreg [dreg:$0x0];
	s2 =	stileid.u32  }
0xaf: {  	s1 =	rddreg [dreg:$0x1];
	p0 =	sne.s32 s2, $0x0  }
0xb0: {  	s3 =	rddreg [dreg:$0x2];
	[bflag:$0x3] =	sbarrier.arrive $0xFFFF;
	s2 =	simm.s32 @!p0 $0x1C06  }
0xb1: {  	[timem:s3], [sflag:s2] =	dma.local @!p0 [hbm:s0], s1  }
0xb2: {  	s0 =	simm.s32 @!p0 $0x6  }
0xb3: {  	_ =	swait.ge @!p0 [sflag:s0], s1  }
0xb4: {  	s1 =	ssub.s32 @!p0 $0x0, s1;
	[sflag:s0] =	ssyncset.done @!p0 $0x0  }
0xb5: {  	[sflag:s0] =	ssyncadd.s32 @!p0 s1  }
0xb6: {  	[bflag:$0x3] =	sbarrier.arrive $0xFFFF  }
0xb7: {  	_ =	shalt  }

// kernel: kernel.8.cloned.1.call-start
scs
__scs_entry_jumppad:
0x0: {  	(pc) =	sbr.rel $0x88, $3  }
0x1: {  	(tag) =	ssettag $0x0;
	lr =	simm.s32 $0x1  }
0x2: {  	[smem:$0x3F9D] =	sst lr;
	_ =	strace $0xD0000000  }
0x3: {  	_ = 	snop  }
0x4: {  	_ = 	snop  }
0x5: {  	_ = 	snop  }
0x6: {  	_ = 	snop  }
0x7: {  	_ = 	snop  }
__scs_overlays_trampoline_lowered:
0x8: {  	[smem:$0x3FAC] =	sst s0  }
0x9: {  	[smem:$0x3FAD] =	sst s1  }
0xa: {  	[smem:$0x3FAE] =	sst s2  }
0xb: {  	[smem:$0x3FAF] =	sst s3  }
0xc: {  	[smem:$0x3FB0] =	sst s4  }
0xd: {  	[smem:$0x3FB1] =	sst s5  }
0xe: {  	[smem:$0x3FB2] =	sst s6  }
0xf: {  	[smem:$0x3FB3] =	sst s7  }
0x10: {  	[smem:$0x3FB4] =	sst s8  }
0x11: {  	[smem:$0x3FB5] =	sst s9;
	s0 =	simm.s32 @!p0 $0x0  }
0x12: {  	s1 =	sld [smem:$0x3F9B];
	s0 =	simm.s32 @p0 $0x1  }
0x13: {  	[smem:$0x3FB6] =	sst s0;
	s0 =	simm.s32 @!p1 $0x0  }
0x14: {  	s2 =	sld [smem:$0x3F9A];
	s0 =	simm.s32 @p1 $0x1  }
0x15: {  	[smem:$0x3FB7] =	sst s0;
	s0 =	simm.s32 @!p2 $0x0  }
0x16: {  	s3 =	sld [smem:$0x3FDB];
	s0 =	simm.s32 @p2 $0x1  }
0x17: {  	s4 =	simm.s32 $0x1BF5;
	[smem:$0x3FB9] =	sst s0  }
0x18: {  	s0 =	sld [smem:$0x3F9C];
	_ =	swait.ge [sflag:s4], $0x0  }
0x19: {  	s7 =	sld [smem:$0x3F9D]  }
0x1a: {  	s8 =	sadd.s32 $0xFFFFE003, lr  }
0x1b: {  	s9 =	sadd.s32 $0xFFFFFEF7, lr;
	s5 =	simm.s32 $0xFFFFFFFF;
	p2 =	slt.u32 s8, $0xFFFFF086  }
0x1c: {  	p1 =	slt.u32 s9, $0xF7A;
	s5 =	simm.s32 @!p2 $0x0  }
0x1d: {  	s5 =	simm.s32 @p1 $0x1;
	p0 =	seq.s32 s7, s2  }
0x1e: {  	s7 =	smul.u32 @!p0 $0xF7A, s2;
	p2 =	seq.s32 @!p0 s5, $0x0  }
0x1f: {  	s9 =	smul.u32 $0xF7A, s1;
	s8 =	simm.s32 @!p0 $0x1BF5;
	p2 =	por !p2, p0  }
0x20: {  	[sflag:s8] =	ssyncset.s32 @!p0 $0xFFFFF086;
	s6 =	sadd.s32 @!p0 s3, s7;
	s7 =	simm.s32 @!p0 $0x108  }
0x21: {  	s3 =	sadd.s32 s3, s9;
	s6 =	sadd.s32 @!p0 $0x88, s6;
	s7 =	simm.s32 @p2 $0x1082  }
0x22: {  	[simem:s7], [sflag:s8] =	dma.local @!p0 [hbm:s6], $0xF7A  }
0x23: {  	s9 =	sor.u32 $0xD0000000, s2;
	s6 =	simm.s32 $0x108;
	_ =	swait.ge @!p0 [sflag:s8], $0x0  }
0x24: {  	s3 =	sadd.s32 $0x88, s3;
	s6 =	simm.s32 @!p1 $0x1082;
	[sflag:s4] =	ssyncset.s32 $0xFFFFF086  }
0x25: {  	[simem:s6], [sflag:s4] =	dma.local [hbm:s3], $0xF7A  }
0x26: {  	[smem:$0x3F9D] =	sst s1;
	(tag) =	ssettag s2;
	_ =	strace s9  }
0x27: {  	s1 =	sld [smem:$0x3FAD]  }
0x28: {  	s2 =	sld [smem:$0x3FAE]  }
0x29: {  	s4 =	sld [smem:$0x3FB0]  }
0x2a: {  	p0 =	seq.s32 s5, $0x0;
	s5 =	sld [smem:$0x3FB1]  }
0x2b: {  	s6 =	sld [smem:$0x3FB2]  }
0x2c: {  	s7 =	sld [smem:$0x3FB3]  }
0x2d: {  	s3 =	simm.s32 $0x108;
	s8 =	sld [smem:$0x3FB4]  }
0x2e: {  	s3 =	simm.s32 @!p0 $0x1082;
	s9 =	sld [smem:$0x3FB5]  }
0x2f: {  	lr =	sadd.s32 s0, s3;
	s0 =	sld [smem:$0x3FAC]  }
0x30: {  	s3 =	sld [smem:$0x3FAF]  }
0x31: {  	[smem:$0x3FB8] =	sst s10  }
0x32: {  	s10 =	sld [smem:$0x3FB6];
	_ =	sdelay $0x3  }
0x33: {  	p0 =	seq.s32 s10, $0x1;
	s10 =	sld [smem:$0x3FB8];
	_ =	sdelay $0x3  }
0x34: {  	[smem:$0x3FB8] =	sst s10  }
0x35: {  	s10 =	sld [smem:$0x3FB7];
	_ =	sdelay $0x3  }
0x36: {  	p1 =	seq.s32 s10, $0x1;
	s10 =	sld [smem:$0x3FB8];
	_ =	sdelay $0x3  }
0x37: {  	[smem:$0x3FB8] =	sst s10  }
0x38: {  	s10 =	sld [smem:$0x3FB9]  }
0x39: {  	_ = 	snop;
	(pc) =	sbr.ind lr, $3  }
0x3a: {  	_ = 	snop  }
0x3b: {  	_ = 	snop  }
0x3c: {  	p2 =	seq.s32 s10, $0x1;
	s10 =	sld [smem:$0x3FB8]  }
0x3d: {  	_ =	shalt  }
0x3e: {  	_ =	shalt  }
0x3f: {  	_ =	shalt  }
0x40: {  	_ =	shalt  }
0x41: {  	_ =	shalt  }
0x42: {  	_ =	shalt  }
0x43: {  	_ =	shalt  }
0x44: {  	_ =	shalt  }
0x45: {  	_ =	shalt  }
0x46: {  	_ =	shalt  }
0x47: {  	_ =	shalt  }
0x48: {  	_ =	shalt  }
0x49: {  	_ =	shalt  }
0x4a: {  	_ =	shalt  }
0x4b: {  	_ =	shalt  }
0x4c: {  	_ =	shalt  }
0x4d: {  	_ =	shalt  }
0x4e: {  	_ =	shalt  }
0x4f: {  	_ =	shalt  }
0x50: {  	_ =	shalt  }
0x51: {  	_ =	shalt  }
0x52: {  	_ =	shalt  }
0x53: {  	_ =	shalt  }
0x54: {  	_ =	shalt  }
0x55: {  	_ =	shalt  }
0x56: {  	_ =	shalt  }
0x57: {  	_ =	shalt  }
0x58: {  	_ =	shalt  }
0x59: {  	_ =	shalt  }
0x5a: {  	_ =	shalt  }
0x5b: {  	_ =	shalt  }
0x5c: {  	_ =	shalt  }
0x5d: {  	_ =	shalt  }
0x5e: {  	_ =	shalt  }
0x5f: {  	_ =	shalt  }
0x60: {  	_ =	shalt  }
0x61: {  	_ =	shalt  }
0x62: {  	_ =	shalt  }
0x63: {  	_ =	shalt  }
0x64: {  	_ =	shalt  }
0x65: {  	_ =	shalt  }
0x66: {  	_ =	shalt  }
0x67: {  	_ =	shalt  }
0x68: {  	_ =	shalt  }
0x69: {  	_ =	shalt  }
0x6a: {  	_ =	shalt  }
0x6b: {  	_ =	shalt  }
0x6c: {  	_ =	shalt  }
0x6d: {  	_ =	shalt  }
0x6e: {  	_ =	shalt  }
0x6f: {  	_ =	shalt  }
0x70: {  	_ =	shalt  }
0x71: {  	_ =	shalt  }
0x72: {  	_ =	shalt  }
0x73: {  	_ =	shalt  }
0x74: {  	_ =	shalt  }
0x75: {  	_ =	shalt  }
0x76: {  	_ =	shalt  }
0x77: {  	_ =	shalt  }
0x78: {  	_ =	shalt  }
0x79: {  	_ =	shalt  }
0x7a: {  	_ =	shalt  }
0x7b: {  	_ =	shalt  }
0x7c: {  	_ =	shalt  }
0x7d: {  	_ =	shalt  }
0x7e: {  	_ =	shalt  }
0x7f: {  	_ =	shalt  }
0x80: {  	_ =	shalt  }
0x81: {  	_ =	shalt  }
0x82: {  	_ =	shalt  }
0x83: {  	_ =	shalt  }
0x84: {  	_ =	shalt  }
0x85: {  	_ =	shalt  }
0x86: {  	_ =	shalt  }
0x87: {  	_ =	shalt  }
.Lfunc_end0:
.L_simem_size_0:
called_computation_lowered:
.L_overlay_start_0:
0x88: {  	s2 =	sld [smem:$0x3FD9]  }
0x89: {  	s3 =	sld [smem:$0x3FFE];
	_ =	sdelay $0x1  }
0x8a: {  	s1 =	srdreg.scid  }
0x8b: {  	s0 =	sand.u32 $0x1, s1  }
0x8c: {  	s14 =	sshll.u32 s0, $0xA;
	s2 =	sadd.s32 s3, s2  }
0x8d: {  	s2 =	sadd.s32 s2, s14  }
0x8e: {  	[smem:$0x3FC4] =	sst s2  }
0x8f: {  	_ = 	snop  }
0x90: {  	s2 =	sld [smem:$0x3FD0];
	_ =	sdelay $0x2  }
0x91: {  	s15 =	simm.s32 $0xA;
	s4 =	simm.s32 $0x10  }
0x92: {  	[smem:s4], [sflag:s15] =	dma.local [hbm:s2], $0x1  }
0x93: {  	_ =	swait.eq [sflag:s15], $0x1  }
0x94: {  	[sflag:s15] =	ssyncset.done $0x0  }
0x95: {  	[sflag:s15] =	ssyncadd.s32 $0xFFFFFFFF  }
0x96: {  	s16 =	sld [smem:$0x11];
	(tm) =	ssettm $0x1  }
0x97: {  	s17 =	sld [smem:$0x3FFB];
	_ =	sdelay $0x3  }
0x98: {  	_ =	strace s17  }
0x99: {  	s3 =	sld [smem:$0x3FFC];
	_ =	sdelay $0x3  }
0x9a: {  	_ =	strace s3  }
0x9b: {  	s3 =	sld [smem:$0x3FFD];
	_ =	sdelay $0x3  }
0x9c: {  	_ =	strace s3  }
0x9d: {  	_ =	strace $0x8FFFFFFF  }
0x9e: {  	s18 =	sld [smem:$0x3FDB];
	_ =	sdelay $0x1  }
0x9f: {  	s19 =	simm.s32 $_scs_section_size  }
0xa0: {  	s5 =	simm.s32 $_size__tile_overlayer_lowered;
	s6 =	simm.s32 $_tile_overlayer_lowered  }
0xa1: {  	s22 =	simm.s32 $0x1BFF;
	s21 =	sshll.u32 s6, $0x1;
	s3 =	sadd.s32 s19, s18  }
0xa2: {  	s7 =	simm.s32 $0x0;
	s20 =	sshll.u32 s5, $0x1;
	s5 =	sadd.s32 s21, s3  }
0xa3: {  	[timem:s7], [sflag:s22] =	dma.local [hbm:s5], s20  }
0xa4: {  	_ =	swait.ge [sflag:s22], s20  }
0xa5: {  	s4 =	ssub.s32 $0x0, s20;
	[sflag:s22] =	ssyncset.done $0x0  }
0xa6: {  	[sflag:s22] =	ssyncadd.s32 s4;
	_ =	sdelay $0x1  }
0xa7: {  	s23 =	simm.s32 $0x1B8B  }
0xa8: {  	_ =	swait.ge [sflag:s23], $0x1  }
0xa9: {  	[sflag:s23] =	ssyncset.done $0x0  }
0xaa: {  	s25 =	simm.s32 $0x1B8E;
	s24 =	sld [smem:$0x3FFE];
	[sflag:s23] =	ssyncadd.s32 $0xFFFFFFFF  }
0xab: {  	s26 =	simm.s32 $execute0_lowered;
	[smem:$0x3FD2] =	sst s25  }
0xac: {  	s5 =	sshll.u32 s26, $0x1;
	_ =	strace $0x80000046;
	[dreg:$0x1] =	wrdreg $0xFFFFFFFF  }
0xad: {  	s28 =	simm.s32 $_size_execute0_lowered;
	s3 =	sadd.s32 s3, s5;
	[dreg:$0x0] =	wrdreg $0x0  }
0xae: {  	s5 =	sshll.u32 s28, $0x1;
	[dreg:$0x2] =	wrdreg s3  }
0xaf: {  	[dreg:$0x3] =	wrdreg s5  }
0xb0: {  	[dreg:$0x4] =	wrdreg $0xC0  }
0xb1: {  	_ =	task [dreg:s7], $0x5FFFF  }
0xb2: {  	[dreg:$0x1] =	wrdreg $0xFFFFFFFF  }
0xb3: {  	[dreg:$0x0] =	wrdreg $0x60  }
0xb4: {  	[dreg:$0x2] =	wrdreg s24  }
0xb5: {  	[dreg:$0x3] =	wrdreg s16  }
0xb6: {  	[dreg:$0x4] =	wrdreg $0x29900  }
0xb7: {  	[dreg:$0x5] =	wrdreg $0x9  }
0xb8: {  	_ =	task.clear_ibuf [dreg:s7], $0x6FFFF;
	_ =	strace $0x90000046  }
0xb9: {  	s29 =	simm.s32 $0x9;
	_ =	strace $0x80000048  }
0xba: {  	_ =	swait.ge [sflag:s29], $0x1  }
0xbb: {  	[sflag:s29] =	ssyncadd.s32 $0xFFFFFFFF  }
0xbc: {  	_ =	strace $0x90000048  }
0xbd: {  	_ =	sfence  }
0xbe: {  	s30 =	sld [smem:$0x0];
	_ =	sdelay $0x2  }
0xbf: {  	s31 =	sshll.u32 s1, $0xD;
	s1 =	sshrl.u32 s1, $0x2  }
0xc0: {  	s3 =	sand.u32 $0x4000, s31;
	s1 =	sadd.s32 s1, s30  }
0xc1: {  	s0 =	sor.u32 s3, s0;
	s1 =	sshll.u32 s1, $0x11  }
0xc2: {  	s0 =	sor.u32 s1, s0  }
0xc3: {  	s0 =	sadd.s32 $0x8F2B, s0  }
0xc4: {  	[sflag:s0] =	ssyncadd.remote.s32 $0x1  }
0xc5: {  	_ =	sfence.sel $0xFFFF  }
0xc6: {  	[dreg:$0x0] =	wrdreg $0xFFFFFFFF;
	(pc) =	sbr.abs _section_cstart, $3  }
0xc7: {  	[dreg:$0x1] =	wrdreg $0xFFFFFFFF  }
0xc8: {  	_ =	task.clear_ibuf [dreg:s7], $0x2FFFF;
	_ =	strace $0x9FFFFFFF  }
0xc9: {  	(tm) =	ssettm $0x7FFFFFFF  }
tec
execute0_lowered:
.L_overlay_start_1:
0x0: {  	(tag) =	ssettag $0x1  }
0x1: {  	s5 =	rddreg [dreg:$0x0]  }
0x2: {  	s0 =	srdreg.scid;
	s1 =	rddreg [dreg:$0x1]  }
0x3: {  	s12 =	stileid.u32;
	s2 =	rddreg [dreg:$0x2];
	s3 =	simm.s32 $0x0  }
0x4: {  	s11 =	simm.s32 $0x50;
	s14 =	simm.s32 $0x0;
	s4 =	sand.u32 $0x1, s0  }
0x5: {  	[smem:$0x7FF] =	sst s3;
	s8 =	smul.u32 $0x13C0, s12;
	p0 =	sne.s32 s12, $0x0  }
0x6: {  	s0 =	sshll.u32 s4, $0x4;
	s7 =	smul.u32 $0x13C00, s4;
	s9 =	ssub.s32 $0x2, s4  }
0x7: {  	s4 =	sadd.s32 $0x15000, s5;
	s0 =	sor.u32 s12, s0;
	s10 =	sshrl.u32 s9, $0x1  }
0x8: {  	s13 =	sadd.s32 s8, s2;
	s12 =	sshll.u32 s12, $0x6;
	s6 =	smul.u32 $0x4E2, s0  }
0x9: {  	s0 =	rddreg [dreg:$0x3];
	_ =	strace $0x80000047;
	s7 =	sadd.s32 s8, s7  }
0xa: {  	s9 =	ssub.s32 s9, s10;
	s8 =	simm.s32 $0x1;
	s10 =	sshrl.u32 @!p0 s2, $0x3  }
0xb: {  	s12 =	sor.u32 $0x1C01, s12;
	s7 =	sshrl.u32 s7, $0x3;
	s6 =	sadd.s32 s6, s5  }
0xc: {  	s13 =	sshrl.u32 s13, $0x3;
	s7 =	sadd.s32 s7, s5;
	s5 =	sadd.s32 $0x1400, s6  }
0xd: {  	s6 =	sadd.s32 $0x17800, s7;
	s7 =	smax.u32 s9, $0x1;
	s9 =	simm.s32 $0x2710  }
.LBB2_1:
0xe: {  	[tilespmem:s3], [sflag:$0x1] =	stream.linear.gather [hbm4b:s5+s3], $0x2710, $0x38;
	[tilespmem:$0x3D50] =	vst v63  }
0xf: {  	_ =	swait.ge [sflag:s8], $0x2710  }
0x10: {  	[sflag:s8] =	ssyncset.done $0x0  }
0x11: {  	[sflag:s8] =	ssyncadd.s32 $0xFFFFD8F0  }
0x12: {  	[tilespmem:s9], [sflag:$0x1] =	stream.linear.gather [hbm4b:s1+s3], $0x280, $0x38;
	[tilespmem:$0x3D50] =	vst v63  }
0x13: {  	_ =	swait.ge [sflag:s8], $0x280  }
0x14: {  	[sflag:s8] =	ssyncset.done $0x0  }
0x15: {  	s15 =	simm.s32 @!p0 $0x1C01;
	[sflag:s8] =	ssyncadd.s32 $0xFFFFFD80  }
0x16: {  	[spmem:s10], [sflag:s15] =	dma.local @!p0 [hbm:s4], $0x2780  }
0x17: {  	s15 =	simm.s32 @!p0 $0x1  }
0x18: {  	_ =	swait.ge @!p0 [sflag:s15], $0x2780  }
0x19: {  	[sflag:s15] =	ssyncset.done @!p0 $0x0  }
0x1a: {  	[sflag:s15] =	ssyncadd.s32 @!p0 $0xFFFFD880  }
0x1b: {  	s31 =	simm.s32 $0x0;
	[bflag:$0x0] =	sbarrier.arrive $0xFFFF  }
0x1c: {  	[spmem:s2] =	stream.indirect.scatter.add.f32 [tilespmem:s9], [sflag:$0x1], $0x8, s31, s11, $0xb8;
	[tilespmem:$0x3D50] =	vst v63  }
0x1d: {  	_ =	swait.ge [sflag:s8], $0x280  }
0x1e: {  	s15 =	simm.s32 $0x140;
	[sflag:s8] =	ssyncset.done $0x0  }
.LBB2_2:
0x1f: {  	s16 =	sshra.s32 s15, $0x2;
	[sflag:s8] =	ssyncadd.s32 $0xFFFFFD80;
	p1 =	sne.s32 s15, $0x9B00  }
0x20: {  	[spmem:s2] =	stream.indirect.scatter.add.f32 [tilespmem:s9], [sflag:$0x1], $0x8, s16, s11, $0xb8;
	[tilespmem:$0x3D50] =	vst v63  }
.Ltmp0:
0x21: {  	_ = 	snop;
	(pc) =	sbr.rel @p1 .LBB2_2-.Ltmp0, $4  }
0x22: {  	_ = 	snop  }
0x23: {  	s15 =	sadd.s32 $0x140, s15  }
0x24: {  	_ =	swait.ge [sflag:s8], $0x280  }
0x25: {  	[sflag:s8] =	ssyncset.done $0x0  }
0x26: {  	s14 =	sadd.s32 $0x1, s14  }
0x27: {  	[sflag:s8] =	ssyncadd.s32 $0xFFFFFD80;
	p1 =	sne.s32 s14, s7  }
.Ltmp1:
0x28: {  	[bflag:$0x0] =	sbarrier.arrive $0xFFFF;
	(pc) =	sbr.rel @p1 .LBB2_1-.Ltmp1, $4  }
0x29: {  	[hbm:s6], [sflag:s12] =	dma.local [spmem:s13], $0x278  }
0x2a: {  	_ =	swait.ge [sflag:s8], $0x278  }
0x2b: {  	[sflag:s8] =	ssyncset.done $0x0  }
0x2c: {  	[sflag:s8] =	ssyncadd.s32 $0xFFFFFD88  }
0x2d: {  	_ =	sfence.sel $0x180000  }
0x2e: {  	[bflag:$0x0] =	sbarrier.arrive $0xFFFF  }
0x2f: {  	_ =	strace $0x90000047  }
0x30: {  	s0 =	sadd.s32 @!p0 $0x100000, s0;
	[bflag:$0x2] =	sbarrier.arrive $0xFFFF  }
0x31: {  	[sflag:s0] =	ssyncadd.tile.s32 @!p0 $0x1;
	_ =	shalt  }
.Lfunc_end2:
_tile_overlayer_lowered:
.L_overlay_start_2:
0x32: {  	(tag) =	ssettag $0x2  }
0x33: {  	s0 =	rddreg [dreg:$0x0];
	s2 =	stileid.u32  }
0x34: {  	s1 =	rddreg [dreg:$0x1];
	p0 =	sne.s32 s2, $0x0  }
0x35: {  	s3 =	rddreg [dreg:$0x2];
	[bflag:$0x3] =	sbarrier.arrive $0xFFFF;
	s2 =	simm.s32 @!p0 $0x1C01  }
0x36: {  	[timem:s3], [sflag:s2] =	dma.local @!p0 [hbm:s0], s1  }
0x37: {  	s0 =	simm.s32 @!p0 $0x1  }
0x38: {  	_ =	swait.ge @!p0 [sflag:s0], s1  }
0x39: {  	s1 =	ssub.s32 @!p0 $0x0, s1;
	[sflag:s0] =	ssyncset.done @!p0 $0x0  }
0x3a: {  	[sflag:s0] =	ssyncadd.s32 @!p0 s1  }
0x3b: {  	[bflag:$0x3] =	sbarrier.arrive $0xFFFF  }
0x3c: {  	_ =	shalt  }

</sc_bundles>
